<compile_context>
chip_gen: v7x
topology: tpu7x:2x2x1
jax: 0.10.2.dev20260603
libtpu: 0.0.44.dev20260713+nightly
codegen_flags: <defaults>
</compile_context>

<pallas_src>
import functools
import math

import jax
import jax.numpy as jnp
from jax import lax
from jax.experimental import pallas as pl
from jax.experimental.pallas import tpu as pltpu
from jax.experimental.pallas import tpu_sc as plsc

EPS = 1e-5


def _dot16(a, b):
    return jnp.dot(a, b, precision=jax.lax.Precision.DEFAULT,
                   preferred_element_type=jnp.float32)


def _split_hi_lo(w):
    hi = w.astype(jnp.bfloat16)
    lo = (w - hi.astype(jnp.float32)).astype(jnp.bfloat16)
    return hi, lo


def _dot3(a, bh, bl):
    ah = a.astype(jnp.bfloat16)
    al = (a - ah.astype(jnp.float32)).astype(jnp.bfloat16)
    return _dot16(ah, bh) + (_dot16(ah, bl) + _dot16(al, bh))


def _fps_body(xyz3_ref, oi_ref, *, S, N, B):
    XYZ3 = xyz3_ref[...]
    X = XYZ3[0:B]
    Y = XYZ3[B:2 * B]
    Z = XYZ3[2 * B:3 * B]
    lid = jax.lax.broadcasted_iota(jnp.int32, (B, N), 1)
    sid = jax.lax.broadcasted_iota(jnp.int32, (B, S), 1)

    def body(i, st):
        dist, idx, aI = st
        aI = aI + (sid == i).astype(jnp.int32) * idx
        oh = (lid == idx).astype(jnp.float32)
        oh3 = jnp.concatenate([oh, oh, oh], axis=0)
        red = jnp.sum(XYZ3 * oh3, axis=1, keepdims=True)
        cx = red[0:B]
        cy = red[B:2 * B]
        cz = red[2 * B:3 * B]
        d = (X - cx) ** 2 + (Y - cy) ** 2 + (Z - cz) ** 2
        dist = jnp.minimum(dist, d)
        m = jnp.max(dist, axis=1, keepdims=True)
        idx = jnp.min(jnp.where(dist == m, lid, N), axis=1, keepdims=True)
        return dist, idx, aI

    dist0 = jnp.full((B, N), 1e10, jnp.float32)
    bidN = jax.lax.broadcasted_iota(jnp.int32, (B, N), 0)
    bidS = jax.lax.broadcasted_iota(jnp.int32, (B, S), 0)
    idx0 = jnp.min(lid * bidN, axis=1, keepdims=True)
    aI0 = jnp.minimum(sid * bidS, 0)
    _, _, aI = jax.lax.fori_loop(0, S, body, (dist0, idx0, aI0))
    oi_ref[...] = aI


def _fps_idx(X, Y, Z, S):
    B, N = X.shape
    xyz3 = jnp.concatenate([X, Y, Z], axis=0)
    return pl.pallas_call(
        functools.partial(_fps_body, S=S, N=N, B=B),
        out_shape=jax.ShapeDtypeStruct((B, S), jnp.int32),
    )(xyz3)


def _sc_gather_rows(idx, pts):
    B, Np, C = pts.shape
    S = idx.shape[1]
    D = 128
    tbl = jnp.concatenate(
        [pts, jnp.zeros((B, Np, D - C), jnp.float32)], axis=-1)
    tbl = tbl.reshape(B * Np, D)
    gidx = (idx + (jnp.arange(B, dtype=jnp.int32) * Np)[:, None]).reshape(-1)
    BT = B * S
    NW = 32
    b_per_w = BT // NW
    mesh = plsc.VectorSubcoreMesh(core_axis_name="c", subcore_axis_name="s")

    @functools.partial(
        pl.kernel, mesh=mesh,
        out_type=jax.ShapeDtypeStruct((BT, D), jnp.float32),
        scratch_types=[
            pltpu.VMEM((b_per_w,), jnp.int32),
            pltpu.VMEM((b_per_w, D), jnp.float32),
            pltpu.SemaphoreType.DMA,
        ],
    )
    def k(table_hbm, idx_hbm, out_hbm, idx_v, rows_v, sem):
        wid = lax.axis_index("s") * 2 + lax.axis_index("c")
        base = wid * b_per_w
        pltpu.sync_copy(idx_hbm.at[pl.ds(base, b_per_w)], idx_v)
        pltpu.async_copy(table_hbm.at[idx_v], rows_v, sem).wait()
        pltpu.sync_copy(rows_v, out_hbm.at[pl.ds(base, b_per_w)])

    return k(tbl, gidx).reshape(B, S, D)


def _fps(X, Y, Z, S, pts):
    idx = _fps_idx(X, Y, Z, S)
    new = _sc_gather_rows(idx, pts)
    return new[:, :, 0], new[:, :, 1], new[:, :, 2]


def _ball_sa_body(tab_ref, xr_ref, yr_ref, zr_ref, sx_ref, sy_ref,
                  sz_ref, L_ref, W1h_ref, W1l_ref, b1_ref, g1_ref, e1_ref,
                  W2h_ref, W2l_ref, b2_ref, g2_ref, e2_ref, W3h_ref, W3l_ref,
                  b3_ref, g3_ref, e3_ref, out_ref, *, Np, K, St, r2, Ct, Off):
    Xr = xr_ref[0]
    Yr = yr_ref[0]
    Zr = zr_ref[0]
    xs = sx_ref[0]
    ys = sy_ref[0]
    zs = sz_ref[0]

    p2 = Xr * Xr + Yr * Yr + Zr * Zr
    s2 = xs * xs + ys * ys + zs * zs
    cross = xs * Xr + ys * Yr + zs * Zr
    d = s2 + p2 - 2.0 * cross
    msk = d <= r2
    mf = msk.astype(jnp.float32).astype(jnp.bfloat16)
    c = _dot16(mf, L_ref[...])
    R = St * K
    cq16 = (c * mf.astype(jnp.float32)).astype(jnp.bfloat16)
    cnt3 = jnp.max(c, axis=1, keepdims=True)[:, None, :]
    kio3 = jax.lax.broadcasted_iota(jnp.int32, (St, K, 1), 1).astype(jnp.float32)
    tau3 = jnp.where(kio3 < cnt3, kio3 + 1.0, 1.0).astype(jnp.bfloat16)
    cq3 = jnp.broadcast_to(cq16[:, None, :], (St, K, Np))
    Sel = (cq3 == tau3).astype(jnp.bfloat16).reshape(R, Np)

    Ghl = _dot16(Sel, tab_ref[0])
    G = Ghl[:, 0:Ct] + Ghl[:, Off:Off + Ct]

    lane = jax.lax.broadcasted_iota(jnp.int32, (St, Ct), 1)
    cen = (xs * (lane == 0) + ys * (lane == 1) + zs * (lane == 2))
    cpad = jnp.broadcast_to(cen[:, None, :], (St, K, Ct)).reshape(R, Ct)
    h = G - cpad

    for Wh, Wl, b, g, e in (
            (W1h_ref, W1l_ref, b1_ref, g1_ref, e1_ref),
            (W2h_ref, W2l_ref, b2_ref, g2_ref, e2_ref),
            (W3h_ref, W3l_ref, b3_ref, g3_ref, e3_ref)):
        h = _dot3(h, Wh[...], Wl[...]) + b[...]
        h = g[...] * h + e[...]
        h = jnp.maximum(h, 0.0)

    Cout = out_ref.shape[2]
    out_ref[0] = jnp.max(h.reshape(St, K, Cout), axis=1)


def _ball_sa(tab, Xr, Yr, Zr, sx, sy, sz, L, layers, *, r2, K, St):
    B, Np, Ct = tab.shape
    S = sx.shape[1]
    (W1, b1, g1, e1), (W2, b2, g2, e2), (W3, b3, g3, e3) = layers
    Cout = W3.shape[1]
    vec = lambda v: v.reshape(1, -1)
    vecg = lambda v: (v / jnp.float32(math.sqrt(1.0 + EPS))).reshape(1, -1)
    grid = (B, S // St)
    c0 = lambda shape: pl.BlockSpec(shape, lambda b, s: (0, 0))

    Off = 128 if Ct <= 128 else 256
    tab_hi = tab.astype(jnp.bfloat16)
    tab_lo = (tab - tab_hi.astype(jnp.float32)).astype(jnp.bfloat16)
    pad = jnp.zeros((B, Np, Off - Ct), jnp.bfloat16)
    tab_hl = jnp.concatenate([tab_hi, pad, tab_lo], axis=-1)

    W1h, W1l = _split_hi_lo(W1)
    W2h, W2l = _split_hi_lo(W2)
    W3h, W3l = _split_hi_lo(W3)

    out = pl.pallas_call(
        functools.partial(_ball_sa_body, Np=Np, K=K, St=St, r2=r2, Ct=Ct,
                          Off=Off),
        grid=grid,
        in_specs=[
            pl.BlockSpec((1, Np, Off + Ct), lambda b, s: (b, 0, 0)),
            pl.BlockSpec((1, 1, Np), lambda b, s: (b, 0, 0)),
            pl.BlockSpec((1, 1, Np), lambda b, s: (b, 0, 0)),
            pl.BlockSpec((1, 1, Np), lambda b, s: (b, 0, 0)),
            pl.BlockSpec((1, St, 1), lambda b, s: (b, s, 0)),
            pl.BlockSpec((1, St, 1), lambda b, s: (b, s, 0)),
            pl.BlockSpec((1, St, 1), lambda b, s: (b, s, 0)),
            c0(L.shape),
            c0(W1.shape), c0(W1.shape), c0((1, W1.shape[1])),
            c0((1, W1.shape[1])), c0((1, W1.shape[1])),
            c0(W2.shape), c0(W2.shape), c0((1, W2.shape[1])),
            c0((1, W2.shape[1])), c0((1, W2.shape[1])),
            c0(W3.shape), c0(W3.shape), c0((1, W3.shape[1])),
            c0((1, W3.shape[1])), c0((1, W3.shape[1])),
        ],
        out_specs=pl.BlockSpec((1, St, Cout), lambda b, s: (b, s, 0)),
        out_shape=jax.ShapeDtypeStruct((B, S, Cout), jnp.float32),
    )(tab_hl,
      Xr.reshape(B, 1, Np), Yr.reshape(B, 1, Np), Zr.reshape(B, 1, Np),
      sx.reshape(B, S, 1), sy.reshape(B, S, 1), sz.reshape(B, S, 1),
      L.astype(jnp.bfloat16),
      W1h, W1l, vec(b1), vecg(g1), vec(e1),
      W2h, W2l, vec(b2), vecg(g2), vec(e2),
      W3h, W3l, vec(b3), vecg(g3), vec(e3))
    return out


def _head_body(t_ref, W1h_ref, W1l_ref, b1_ref, g1_ref, e1_ref, W2h_ref,
               W2l_ref, b2_ref, g2_ref, e2_ref, W3h_ref, W3l_ref, b3_ref,
               g3_ref, e3_ref, f1h_ref, f1l_ref, f1b_ref, n1g_ref, n1b_ref,
               f2h_ref, f2l_ref, f2b_ref, n2g_ref, n2b_ref, f3h_ref, f3l_ref,
               f3b_ref, feat_ref, logp_ref, *, B, Npt):
    h = t_ref[...]
    for Wh, Wl, b, g, e in (
            (W1h_ref, W1l_ref, b1_ref, g1_ref, e1_ref),
            (W2h_ref, W2l_ref, b2_ref, g2_ref, e2_ref),
            (W3h_ref, W3l_ref, b3_ref, g3_ref, e3_ref)):
        h = _dot3(h, Wh[...], Wl[...]) + b[...]
        h = g[...] * h + e[...]
        h = jnp.maximum(h, 0.0)
    C = h.shape[1]
    feat = jnp.max(h.reshape(B, Npt, C), axis=1)
    feat_ref[...] = feat

    a = _dot3(feat, f1h_ref[...], f1l_ref[...]) + f1b_ref[...]
    a = n1g_ref[...] * a + n1b_ref[...]
    a = jnp.maximum(a, 0.0)
    a = _dot3(a, f2h_ref[...], f2l_ref[...]) + f2b_ref[...]
    a = n2g_ref[...] * a + n2b_ref[...]
    a = jnp.maximum(a, 0.0)
    logits = _dot3(a, f3h_ref[...], f3l_ref[...]) + f3b_ref[...]
    mx = jnp.max(logits, axis=1, keepdims=True)
    sh = logits - jax.lax.stop_gradient(mx)
    logp = sh - jnp.log(jnp.sum(jnp.exp(sh), axis=1, keepdims=True))
    logp_ref[...] = logp


def _head(tab, sa3, fc1, bn1, fc2, bn2, fc3, B):
    Npt = tab.shape[0] // B
    (W1, b1, g1, e1), (W2, b2, g2, e2), (W3, b3, g3, e3) = sa3
    vec = lambda v: v.reshape(1, -1)
    vecg = lambda v: (v / jnp.float32(math.sqrt(1.0 + EPS))).reshape(1, -1)
    nclass = fc3[0].shape[1]
    W1h, W1l = _split_hi_lo(W1)
    W2h, W2l = _split_hi_lo(W2)
    W3h, W3l = _split_hi_lo(W3)
    f1h, f1l = _split_hi_lo(fc1[0])
    f2h, f2l = _split_hi_lo(fc2[0])
    f3h, f3l = _split_hi_lo(fc3[0])
    return pl.pallas_call(
        functools.partial(_head_body, B=B, Npt=Npt),
        out_shape=(jax.ShapeDtypeStruct((B, W3.shape[1]), jnp.float32),
                   jax.ShapeDtypeStruct((B, nclass), jnp.float32)),
    )(tab,
      W1h, W1l, vec(b1), vecg(g1), vec(e1),
      W2h, W2l, vec(b2), vecg(g2), vec(e2),
      W3h, W3l, vec(b3), vecg(g3), vec(e3),
      f1h, f1l, vec(fc1[1]), vecg(bn1[0]), vec(bn1[1]),
      f2h, f2l, vec(fc2[1]), vecg(bn2[0]), vec(bn2[1]),
      f3h, f3l, vec(fc3[1]))


def _tri(n):
    r = jnp.arange(n, dtype=jnp.int32)
    return (r[:, None] <= r[None, :]).astype(jnp.float32)


def kernel(xyz, params):
    b, t, k, n = xyz.shape
    B = b * t
    pts = xyz.reshape(B, k, n).transpose(0, 2, 1)
    X = pts[:, :, 0]
    Y = pts[:, :, 1]
    Z = pts[:, :, 2]

    n1x, n1y, n1z = _fps(X, Y, Z, 512, pts)
    L1 = _tri(n)
    l1_pts = _ball_sa(pts, X, Y, Z, n1x, n1y, n1z, L1, params['sa1'],
                      r2=0.2 ** 2, K=32, St=256)

    new1 = jnp.stack([n1x, n1y, n1z], axis=-1)
    n2x, n2y, n2z = _fps(n1x, n1y, n1z, 128, new1)
    tab2 = jnp.concatenate([new1, l1_pts], axis=-1)
    L2 = _tri(512)
    l2_pts = _ball_sa(tab2, n1x, n1y, n1z, n2x, n2y, n2z, L2, params['sa2'],
                      r2=0.4 ** 2, K=64, St=64)

    new2 = jnp.stack([n2x, n2y, n2z], axis=-1)
    tab3 = jnp.concatenate([new2, l2_pts], axis=-1).reshape(B * 128, 259)
    feat, logp = _head(tab3, params['sa3'], params['fc1'], params['bn1'],
                       params['fc2'], params['bn2'], params['fc3'], B)

    pred = logp.reshape(b, t, -1).transpose(0, 2, 1)
    features = feat.reshape(b, t, 1024)
    return pred, features

# --- scband reference (transcript-rebuilt; emitter-appended) ---
"""Pipeline reference for scband-point-net2-23502061044569 (READ-ONLY COPY).

The authoritative reference and input builder live on the scoring server;
editing this copy changes nothing except your own understanding.
"""

import jax, jax.numpy as jnp
import numpy as np

EPS = 1e-5

def square_distance(src, dst):
    return (jnp.sum(src ** 2, -1)[:, :, None]
            + jnp.sum(dst ** 2, -1)[:, None, :]
            - 2.0 * src @ dst.transpose(0, 2, 1))

def index_points(points, idx):
    B = points.shape[0]
    bidx = jnp.arange(B).reshape((B,) + (1,) * (idx.ndim - 1))
    return points[bidx, idx]

def farthest_point_sample(xyz, npoint):
    B, N, _ = xyz.shape
    def body(i, state):
        centroids, distance, farthest = state
        centroids = centroids.at[:, i].set(farthest)
        centroid = xyz[jnp.arange(B), farthest][:, None, :]
        d = jnp.sum((xyz - centroid) ** 2, -1)
        distance = jnp.minimum(distance, d)
        farthest = jnp.argmax(distance, -1).astype(jnp.int32)
        return centroids, distance, farthest
    centroids = jnp.zeros((B, npoint), dtype=jnp.int32)
    distance = jnp.full((B, N), 1e10, dtype=xyz.dtype)
    farthest = jnp.zeros((B,), dtype=jnp.int32)
    centroids, _, _ = jax.lax.fori_loop(0, npoint, body, (centroids, distance, farthest))
    return centroids

def query_ball_point(radius, nsample, xyz, new_xyz):
    B, N, _ = xyz.shape
    S = new_xyz.shape[1]
    sqrdists = square_distance(new_xyz, xyz)
    group_idx = jnp.broadcast_to(jnp.arange(N, dtype=jnp.int32), (B, S, N))
    group_idx = jnp.where(sqrdists > radius ** 2, N, group_idx)
    group_idx = jnp.sort(group_idx, axis=-1)[:, :, :nsample]
    group_first = jnp.broadcast_to(group_idx[:, :, :1], group_idx.shape)
    group_idx = jnp.where(group_idx == N, group_first, group_idx)
    return group_idx

def mlp_bn_relu(x, layers):
    for (W, b, g, beta) in layers:
        x = x @ W + b
        x = g * x / jnp.sqrt(1.0 + EPS) + beta
        x = jax.nn.relu(x)
    return x

def compute_indices(pts):
    sg = jax.lax.stop_gradient
    x = sg(pts)
    fps1 = farthest_point_sample(x, 512)
    new1 = index_points(x, fps1)
    ball1 = query_ball_point(0.2, 32, x, new1)
    fps2 = farthest_point_sample(new1, 128)
    new2 = index_points(new1, fps2)
    ball2 = query_ball_point(0.4, 64, new1, new2)
    return fps1, ball1, fps2, ball2

def set_abstraction(xyz, points, fps_idx, ball_idx, layers):
    new_xyz = index_points(xyz, fps_idx)
    grouped_xyz = index_points(xyz, ball_idx) - new_xyz[:, :, None, :]
    if points is not None:
        new_points = jnp.concatenate([grouped_xyz, index_points(points, ball_idx)], axis=-1)
    else:
        new_points = grouped_xyz
    h = mlp_bn_relu(new_points, layers)
    return new_xyz, jnp.max(h, axis=2)

def set_abstraction_all(xyz, points, layers):
    B, N, C = xyz.shape
    new_xyz = jnp.zeros((B, 1, C), dtype=xyz.dtype)
    grouped = xyz[:, None, :, :]
    if points is not None:
        grouped = jnp.concatenate([grouped, points[:, None, :, :]], axis=-1)
    h = mlp_bn_relu(grouped, layers)
    return new_xyz, jnp.max(h, axis=2)

def bn_eval(x, g, beta):
    return g * x / jnp.sqrt(1.0 + EPS) + beta

def forward(xyz, params, idx_cache):
    b, t, k, n = xyz.shape
    B = b * t
    pts = xyz.reshape(B, k, n).transpose(0, 2, 1)
    fps1, ball1, fps2, ball2 = idx_cache
    l1_xyz, l1_pts = set_abstraction(pts, None, fps1, ball1, params['sa1'])
    l2_xyz, l2_pts = set_abstraction(l1_xyz, l1_pts, fps2, ball2, params['sa2'])
    l3_xyz, l3_pts = set_abstraction_all(l2_xyz, l2_pts, params['sa3'])
    feat = l3_pts.reshape(B, 1024)
    W1, b1 = params['fc1']; g1, be1 = params['bn1']
    W2, b2 = params['fc2']; g2, be2 = params['bn2']
    W3, b3 = params['fc3']
    h = jax.nn.relu(bn_eval(feat @ W1 + b1, g1, be1))
    h = jax.nn.relu(bn_eval(h @ W2 + b2, g2, be2))
    logits = h @ W3 + b3
    logp = jax.nn.log_softmax(logits, axis=-1)
    pred = logp.reshape(b, t, -1).transpose(0, 2, 1)
    features = feat.reshape(b, t, 1024)
    return pred, features

def make_mlp(key, cin, channels):
    layers = []
    for cout in channels:
        key, k1 = jax.random.split(key)
        W = jax.random.normal(k1, (cin, cout), dtype=jnp.float32) * 0.05
        layers.append((W, jnp.zeros((cout,), jnp.float32), jnp.ones((cout,), jnp.float32), jnp.zeros((cout,), jnp.float32)))
        cin = cout
    return key, layers

def setup_inputs(seed: int = 0):
    key = jax.random.key(seed)
    key, k_x = jax.random.split(key)
    xyz = jax.random.uniform(k_x, (2, 4, 3, 1024), dtype=jnp.float32)
    key, sa1 = make_mlp(key, 3, [64, 64, 128])
    key, sa2 = make_mlp(key, 131, [128, 128, 256])
    key, sa3 = make_mlp(key, 259, [256, 512, 1024])
    def lin(key, cin, cout):
        key, k1 = jax.random.split(key)
        return key, (jax.random.normal(k1, (cin, cout), dtype=jnp.float32) * 0.02, jnp.zeros((cout,), jnp.float32))
    key, fc1 = lin(key, 1024, 512)
    key, fc2 = lin(key, 512, 256)
    key, fc3 = lin(key, 256, 40)
    params = {'sa1': sa1, 'sa2': sa2, 'sa3': sa3,
              'fc1': fc1, 'bn1': (jnp.ones(512, jnp.float32), jnp.zeros(512, jnp.float32)),
              'fc2': fc2, 'bn2': (jnp.ones(256, jnp.float32), jnp.zeros(256, jnp.float32)),
              'fc3': fc3}
    return {'xyz': xyz, 'params': params}

def reference(xyz, params):
    b, t, k, n = xyz.shape
    pts = xyz.reshape(b * t, k, n).transpose(0, 2, 1)
    idx_cache = compute_indices(pts)
    return forward(xyz, params, idx_cache)

if __name__ == "__main__":
    import jax
    _d = setup_inputs()
    print(jax.jit(kernel)(*tuple(_d.values())))

</pallas_src>

<mosaic_0001>
#map = affine_map<(d0, d1) -> (0, 0)>
#map1 = affine_map<(d0, d1) -> (0)>
module attributes {stable_mosaic.version = 14 : i64} {
  func.func @k(%arg0: i32, %arg1: i32, %arg2: memref<8192x128xf32, #tpu.memory_space<hbm>>, %arg3: memref<4096xi32, #tpu.memory_space<hbm>>, %arg4: memref<4096x128xf32, #tpu.memory_space<hbm>>, %arg5: memref<128xi32, #tpu.memory_space<vmem>>, %arg6: memref<128x128xf32, #tpu.memory_space<vmem>>, %arg7: memref<!tpu.dma_semaphore, #tpu.memory_space<semaphore_mem>>) attributes {dimension_semantics = [#tpu.dimension_semantics<core_parallel>, #tpu.dimension_semantics<subcore_parallel>], iteration_bounds = array<i64: 2, 16>, scalar_prefetch = 0 : i64, scratch_operands = 3 : i64, tpu.core_type = #tpu.core_type<sc_vector_subcore>, window_params = [{transform_indices = #map}, {transform_indices = #map1}, {transform_indices = #map}]} {
    %mul3A = arith.constant 2 : i32
    %mul3A_0 = arith.muli %arg1, %mul3A : i32
    %add3A = arith.addi %mul3A_0, %arg0 : i32
    %mul3A_1 = arith.constant 128 : i32
    %mul3A_2 = arith.muli %add3A, %mul3A_1 : i32
    "tpu.region"() ({
      %run_scoped3A = tpu.sem_alloc : memref<!tpu.dma_semaphore, #tpu.memory_space<semaphore_mem>>
      %dma_start3A_7 = tpu.memref_slice %arg3[%mul3A_2] : memref<4096xi32, #tpu.memory_space<hbm>> -> memref<128xi32, #tpu.memory_space<hbm>>
      %dma_start3A_8 = tpu.memref_slice %arg3[%mul3A_2] : memref<4096xi32, #tpu.memory_space<hbm>> -> memref<128xi32, #tpu.memory_space<hbm>>
      tpu.enqueue_dma source(%dma_start3A_8 : memref<128xi32, #tpu.memory_space<hbm>>) target(%arg5 : memref<128xi32, #tpu.memory_space<vmem>>) target_semaphore(%run_scoped3A : memref<!tpu.dma_semaphore, #tpu.memory_space<semaphore_mem>>)
      %dma_wait3A_9 = tpu.memref_slice %arg3[%mul3A_2] : memref<4096xi32, #tpu.memory_space<hbm>> -> memref<128xi32, #tpu.memory_space<hbm>>
      %dma_wait3A_10 = tpu.memref_slice %arg3[%mul3A_2] : memref<4096xi32, #tpu.memory_space<hbm>> -> memref<128xi32, #tpu.memory_space<hbm>>
      tpu.wait_dma2 semaphore(%run_scoped3A : memref<!tpu.dma_semaphore, #tpu.memory_space<semaphore_mem>>) src(%dma_wait3A_10 : memref<128xi32, #tpu.memory_space<hbm>>) dst(%arg5 : memref<128xi32, #tpu.memory_space<vmem>>)
      tpu.yield
    }) : () -> ()
    %dma_start3A = arith.constant 0 : i32
    %dma_start3A_3 = arith.constant 0 : i32
    %dma_start3A_4 = tpu.memref_slice %arg2[%dma_start3A, %dma_start3A_3] : memref<8192x128xf32, #tpu.memory_space<hbm>> -> memref<8192x128xf32, #tpu.memory_space<hbm>>
    tpu.enqueue_indirect_dma source(%dma_start3A_4 : memref<8192x128xf32, #tpu.memory_space<hbm>>) target(%arg6 : memref<128x128xf32, #tpu.memory_space<vmem>>) offsets(%arg5 : memref<128xi32, #tpu.memory_space<vmem>>) semaphore(%arg7 : memref<!tpu.dma_semaphore, #tpu.memory_space<semaphore_mem>>)
    %dma_wait3A = arith.constant 0 : i32
    %dma_wait3A_5 = arith.constant 0 : i32
    %dma_wait3A_6 = tpu.memref_slice %arg2[%dma_wait3A, %dma_wait3A_5] : memref<8192x128xf32, #tpu.memory_space<hbm>> -> memref<8192x128xf32, #tpu.memory_space<hbm>>
    tpu.wait_indirect_dma semaphore(%arg7 : memref<!tpu.dma_semaphore, #tpu.memory_space<semaphore_mem>>) src(%dma_wait3A_6 : memref<8192x128xf32, #tpu.memory_space<hbm>>) dst(%arg6 : memref<128x128xf32, #tpu.memory_space<vmem>>)
    "tpu.region"() ({
      %run_scoped3A = tpu.sem_alloc : memref<!tpu.dma_semaphore, #tpu.memory_space<semaphore_mem>>
      %dma_start3A_7 = arith.constant 0 : i32
      %dma_start3A_8 = tpu.memref_slice %arg4[%mul3A_2, %dma_start3A_7] : memref<4096x128xf32, #tpu.memory_space<hbm>> -> memref<128x128xf32, #tpu.memory_space<hbm>>
      %dma_start3A_9 = arith.constant 0 : i32
      %dma_start3A_10 = tpu.memref_slice %arg4[%mul3A_2, %dma_start3A_9] : memref<4096x128xf32, #tpu.memory_space<hbm>> -> memref<128x128xf32, #tpu.memory_space<hbm>>
      tpu.enqueue_dma source(%arg6 : memref<128x128xf32, #tpu.memory_space<vmem>>) target(%dma_start3A_10 : memref<128x128xf32, #tpu.memory_space<hbm>>) target_semaphore(%run_scoped3A : memref<!tpu.dma_semaphore, #tpu.memory_space<semaphore_mem>>)
      %dma_wait3A_11 = arith.constant 0 : i32
      %dma_wait3A_12 = tpu.memref_slice %arg4[%mul3A_2, %dma_wait3A_11] : memref<4096x128xf32, #tpu.memory_space<hbm>> -> memref<128x128xf32, #tpu.memory_space<hbm>>
      %dma_wait3A_13 = arith.constant 0 : i32
      %dma_wait3A_14 = tpu.memref_slice %arg4[%mul3A_2, %dma_wait3A_13] : memref<4096x128xf32, #tpu.memory_space<hbm>> -> memref<128x128xf32, #tpu.memory_space<hbm>>
      tpu.wait_dma2 semaphore(%run_scoped3A : memref<!tpu.dma_semaphore, #tpu.memory_space<semaphore_mem>>) src(%arg6 : memref<128x128xf32, #tpu.memory_space<vmem>>) dst(%dma_wait3A_14 : memref<128x128xf32, #tpu.memory_space<hbm>>)
      tpu.yield
    }) : () -> ()
    return
  }
}

#map = affine_map<(d0, d1) -> (0, 0)>
#map1 = affine_map<(d0, d1) -> (0)>
module attributes {stable_mosaic.version = 14 : i64} {
  func.func @k(%arg0: i32, %arg1: i32, %arg2: memref<4096x128xf32, #tpu.memory_space<hbm>>, %arg3: memref<1024xi32, #tpu.memory_space<hbm>>, %arg4: memref<1024x128xf32, #tpu.memory_space<hbm>>, %arg5: memref<32xi32, #tpu.memory_space<vmem>>, %arg6: memref<32x128xf32, #tpu.memory_space<vmem>>, %arg7: memref<!tpu.dma_semaphore, #tpu.memory_space<semaphore_mem>>) attributes {dimension_semantics = [#tpu.dimension_semantics<core_parallel>, #tpu.dimension_semantics<subcore_parallel>], iteration_bounds = array<i64: 2, 16>, scalar_prefetch = 0 : i64, scratch_operands = 3 : i64, tpu.core_type = #tpu.core_type<sc_vector_subcore>, window_params = [{transform_indices = #map}, {transform_indices = #map1}, {transform_indices = #map}]} {
    %mul3A = arith.constant 2 : i32
    %mul3A_0 = arith.muli %arg1, %mul3A : i32
    %add3A = arith.addi %mul3A_0, %arg0 : i32
    %mul3A_1 = arith.constant 32 : i32
    %mul3A_2 = arith.muli %add3A, %mul3A_1 : i32
    "tpu.region"() ({
      %run_scoped3A = tpu.sem_alloc : memref<!tpu.dma_semaphore, #tpu.memory_space<semaphore_mem>>
      %dma_start3A_7 = tpu.memref_slice %arg3[%mul3A_2] : memref<1024xi32, #tpu.memory_space<hbm>> -> memref<32xi32, #tpu.memory_space<hbm>>
      %dma_start3A_8 = tpu.memref_slice %arg3[%mul3A_2] : memref<1024xi32, #tpu.memory_space<hbm>> -> memref<32xi32, #tpu.memory_space<hbm>>
      tpu.enqueue_dma source(%dma_start3A_8 : memref<32xi32, #tpu.memory_space<hbm>>) target(%arg5 : memref<32xi32, #tpu.memory_space<vmem>>) target_semaphore(%run_scoped3A : memref<!tpu.dma_semaphore, #tpu.memory_space<semaphore_mem>>)
      %dma_wait3A_9 = tpu.memref_slice %arg3[%mul3A_2] : memref<1024xi32, #tpu.memory_space<hbm>> -> memref<32xi32, #tpu.memory_space<hbm>>
      %dma_wait3A_10 = tpu.memref_slice %arg3[%mul3A_2] : memref<1024xi32, #tpu.memory_space<hbm>> -> memref<32xi32, #tpu.memory_space<hbm>>
      tpu.wait_dma2 semaphore(%run_scoped3A : memref<!tpu.dma_semaphore, #tpu.memory_space<semaphore_mem>>) src(%dma_wait3A_10 : memref<32xi32, #tpu.memory_space<hbm>>) dst(%arg5 : memref<32xi32, #tpu.memory_space<vmem>>)
      tpu.yield
    }) : () -> ()
    %dma_start3A = arith.constant 0 : i32
    %dma_start3A_3 = arith.constant 0 : i32
    %dma_start3A_4 = tpu.memref_slice %arg2[%dma_start3A, %dma_start3A_3] : memref<4096x128xf32, #tpu.memory_space<hbm>> -> memref<4096x128xf32, #tpu.memory_space<hbm>>
    tpu.enqueue_indirect_dma source(%dma_start3A_4 : memref<4096x128xf32, #tpu.memory_space<hbm>>) target(%arg6 : memref<32x128xf32, #tpu.memory_space<vmem>>) offsets(%arg5 : memref<32xi32, #tpu.memory_space<vmem>>) semaphore(%arg7 : memref<!tpu.dma_semaphore, #tpu.memory_space<semaphore_mem>>)
    %dma_wait3A = arith.constant 0 : i32
    %dma_wait3A_5 = arith.constant 0 : i32
    %dma_wait3A_6 = tpu.memref_slice %arg2[%dma_wait3A, %dma_wait3A_5] : memref<4096x128xf32, #tpu.memory_space<hbm>> -> memref<4096x128xf32, #tpu.memory_space<hbm>>
    tpu.wait_indirect_dma semaphore(%arg7 : memref<!tpu.dma_semaphore, #tpu.memory_space<semaphore_mem>>) src(%dma_wait3A_6 : memref<4096x128xf32, #tpu.memory_space<hbm>>) dst(%arg6 : memref<32x128xf32, #tpu.memory_space<vmem>>)
    "tpu.region"() ({
      %run_scoped3A = tpu.sem_alloc : memref<!tpu.dma_semaphore, #tpu.memory_space<semaphore_mem>>
      %dma_start3A_7 = arith.constant 0 : i32
      %dma_start3A_8 = tpu.memref_slice %arg4[%mul3A_2, %dma_start3A_7] : memref<1024x128xf32, #tpu.memory_space<hbm>> -> memref<32x128xf32, #tpu.memory_space<hbm>>
      %dma_start3A_9 = arith.constant 0 : i32
      %dma_start3A_10 = tpu.memref_slice %arg4[%mul3A_2, %dma_start3A_9] : memref<1024x128xf32, #tpu.memory_space<hbm>> -> memref<32x128xf32, #tpu.memory_space<hbm>>
      tpu.enqueue_dma source(%arg6 : memref<32x128xf32, #tpu.memory_space<vmem>>) target(%dma_start3A_10 : memref<32x128xf32, #tpu.memory_space<hbm>>) target_semaphore(%run_scoped3A : memref<!tpu.dma_semaphore, #tpu.memory_space<semaphore_mem>>)
      %dma_wait3A_11 = arith.constant 0 : i32
      %dma_wait3A_12 = tpu.memref_slice %arg4[%mul3A_2, %dma_wait3A_11] : memref<1024x128xf32, #tpu.memory_space<hbm>> -> memref<32x128xf32, #tpu.memory_space<hbm>>
      %dma_wait3A_13 = arith.constant 0 : i32
      %dma_wait3A_14 = tpu.memref_slice %arg4[%mul3A_2, %dma_wait3A_13] : memref<1024x128xf32, #tpu.memory_space<hbm>> -> memref<32x128xf32, #tpu.memory_space<hbm>>
      tpu.wait_dma2 semaphore(%run_scoped3A : memref<!tpu.dma_semaphore, #tpu.memory_space<semaphore_mem>>) src(%arg6 : memref<32x128xf32, #tpu.memory_space<vmem>>) dst(%dma_wait3A_14 : memref<32x128xf32, #tpu.memory_space<hbm>>)
      tpu.yield
    }) : () -> ()
    return
  }
}

module attributes {stable_mosaic.version = 14 : i64} {
  func.func @_fps_body(%arg0: memref<24x1024xf32, #tpu.memory_space<vmem>>, %arg1: memref<8x512xi32, #tpu.memory_space<vmem>>) attributes {dimension_semantics = [], scalar_prefetch = 0 : i64, scratch_operands = 0 : i64, tpu.core_type = #tpu.core_type<tc>} {
    %get3A = arith.constant 0 : index
    %get3A_0 = arith.constant 0 : index
    %get3A_1 = vector.load %arg0[%get3A, %get3A_0] : memref<24x1024xf32, #tpu.memory_space<vmem>>, vector<24x1024xf32>
    %slice3A = vector.extract_strided_slice %get3A_1 {offsets = [0, 0], sizes = [8, 1024], strides = [1, 1]} : vector<24x1024xf32> to vector<8x1024xf32>
    %slice3A_2 = vector.extract_strided_slice %get3A_1 {offsets = [8, 0], sizes = [8, 1024], strides = [1, 1]} : vector<24x1024xf32> to vector<8x1024xf32>
    %slice3A_3 = vector.extract_strided_slice %get3A_1 {offsets = [16, 0], sizes = [8, 1024], strides = [1, 1]} : vector<24x1024xf32> to vector<8x1024xf32>
    %iota3A = tpu.iota {dimensions = array<i32: 1>} : vector<8x1024xi32>
    %iota3A_4 = tpu.iota {dimensions = array<i32: 1>} : vector<8x512xi32>
    %broadcast_in_dim3A = arith.constant 1.000000e+10 : f32
    %broadcast_in_dim3A_5 = vector.broadcast %broadcast_in_dim3A : f32 to vector<8x1024xf32>
    %iota3A_6 = tpu.iota {dimensions = array<i32: 0>} : vector<8x1024xi32>
    %iota3A_7 = tpu.iota {dimensions = array<i32: 0>} : vector<8x512xi32>
    %mul3A = arith.muli %iota3A, %iota3A_6 : vector<8x1024xi32>
    %reduce_min3A = arith.constant dense<2147483647> : vector<8xi32>
    %reduce_min3A_8 = vector.multi_reduction <minsi>, %mul3A, %reduce_min3A [1] : vector<8x1024xi32> to vector<8xi32>
    %broadcast_in_dim3A_9 = vector.shape_cast %reduce_min3A_8 : vector<8xi32> to vector<8x1xi32>
    %mul3A_10 = arith.muli %iota3A_4, %iota3A_7 : vector<8x512xi32>
    %min3A = arith.constant 0 : i32
    %min3A_11 = vector.broadcast %min3A : i32 to vector<8x512xi32>
    %min3A_12 = arith.minsi %mul3A_10, %min3A_11 : vector<8x512xi32>
    %scan3A = arith.constant 0 : i32
    %scan3A_13 = arith.constant 512 : i32
    %scan3A_14 = arith.addi %scan3A, %scan3A_13 : i32
    %scan3A_15 = arith.constant 1 : i32
    %scan3A_16:3 = scf.for %scan3A_20 = %scan3A to %scan3A_14 step %scan3A_15 iter_args(%scan3A_21 = %broadcast_in_dim3A_5, %scan3A_22 = %broadcast_in_dim3A_9, %scan3A_23 = %min3A_12) -> (vector<8x1024xf32>, vector<8x1xi32>, vector<8x512xi32>)  : i32 {
      %eq3A = vector.broadcast %scan3A_20 : i32 to vector<8x512xi32>
      %eq3A_24 = arith.cmpi eq, %iota3A_4, %eq3A : vector<8x512xi32>
      %convert_element_type3A = arith.extui %eq3A_24 : vector<8x512xi1> to vector<8x512xi32>
      %mul3A_25 = vector.broadcast %scan3A_22 : vector<8x1xi32> to vector<8x512xi32>
      %mul3A_26 = arith.muli %convert_element_type3A, %mul3A_25 : vector<8x512xi32>
      %add3A = arith.addi %scan3A_23, %mul3A_26 : vector<8x512xi32>
      %eq3A_27 = vector.broadcast %scan3A_22 : vector<8x1xi32> to vector<8x1024xi32>
      %eq3A_28 = arith.cmpi eq, %iota3A, %eq3A_27 : vector<8x1024xi32>
      %convert_element_type3A_29 = arith.extui %eq3A_28 : vector<8x1024xi1> to vector<8x1024xi32>
      %convert_element_type3A_30 = arith.sitofp %convert_element_type3A_29 : vector<8x1024xi32> to vector<8x1024xf32>
      %concatenate3A = tpu.concatenate %convert_element_type3A_30, %convert_element_type3A_30, %convert_element_type3A_30 in 0 : vector<8x1024xf32>, vector<8x1024xf32>, vector<8x1024xf32> -> vector<24x1024xf32>
      %mul3A_31 = arith.mulf %get3A_1, %concatenate3A : vector<24x1024xf32>
      %reduce_sum3A = arith.constant dense<0.000000e+00> : vector<24xf32>
      %reduce_sum3A_32 = vector.multi_reduction <add>, %mul3A_31, %reduce_sum3A [1] : vector<24x1024xf32> to vector<24xf32>
      %broadcast_in_dim3A_33 = vector.shape_cast %reduce_sum3A_32 : vector<24xf32> to vector<24x1xf32>
      %slice3A_34 = vector.extract_strided_slice %broadcast_in_dim3A_33 {offsets = [0, 0], sizes = [8, 1], strides = [1, 1]} : vector<24x1xf32> to vector<8x1xf32>
      %slice3A_35 = vector.extract_strided_slice %broadcast_in_dim3A_33 {offsets = [8, 0], sizes = [8, 1], strides = [1, 1]} : vector<24x1xf32> to vector<8x1xf32>
      %slice3A_36 = vector.extract_strided_slice %broadcast_in_dim3A_33 {offsets = [16, 0], sizes = [8, 1], strides = [1, 1]} : vector<24x1xf32> to vector<8x1xf32>
      %sub3A = vector.broadcast %slice3A_34 : vector<8x1xf32> to vector<8x1024xf32>
      %sub3A_37 = arith.subf %slice3A, %sub3A : vector<8x1024xf32>
      %integer_pow3A = arith.mulf %sub3A_37, %sub3A_37 : vector<8x1024xf32>
      %sub3A_38 = vector.broadcast %slice3A_35 : vector<8x1xf32> to vector<8x1024xf32>
      %sub3A_39 = arith.subf %slice3A_2, %sub3A_38 : vector<8x1024xf32>
      %integer_pow3A_40 = arith.mulf %sub3A_39, %sub3A_39 : vector<8x1024xf32>
      %add3A_41 = arith.addf %integer_pow3A, %integer_pow3A_40 : vector<8x1024xf32>
      %sub3A_42 = vector.broadcast %slice3A_36 : vector<8x1xf32> to vector<8x1024xf32>
      %sub3A_43 = arith.subf %slice3A_3, %sub3A_42 : vector<8x1024xf32>
      %integer_pow3A_44 = arith.mulf %sub3A_43, %sub3A_43 : vector<8x1024xf32>
      %add3A_45 = arith.addf %add3A_41, %integer_pow3A_44 : vector<8x1024xf32>
      %min3A_46 = arith.minimumf %scan3A_21, %add3A_45 : vector<8x1024xf32>
      %reduce_max3A = arith.constant dense<0xFF800000> : vector<8xf32>
      %reduce_max3A_47 = vector.multi_reduction <maximumf>, %min3A_46, %reduce_max3A [1] : vector<8x1024xf32> to vector<8xf32>
      %broadcast_in_dim3A_48 = vector.shape_cast %reduce_max3A_47 : vector<8xf32> to vector<8x1xf32>
      %eq3A_49 = vector.broadcast %broadcast_in_dim3A_48 : vector<8x1xf32> to vector<8x1024xf32>
      %eq3A_50 = arith.cmpf oeq, %min3A_46, %eq3A_49 : vector<8x1024xf32>
      %jit3A = arith.constant 1024 : i32
      %broadcast_in_dim3A_51 = vector.broadcast %jit3A : i32 to vector<8x1024xi32>
      %select_n3A = arith.select %eq3A_50, %iota3A, %broadcast_in_dim3A_51 : vector<8x1024xi1>, vector<8x1024xi32>
      %reduce_min3A_52 = arith.constant dense<2147483647> : vector<8xi32>
      %reduce_min3A_53 = vector.multi_reduction <minsi>, %select_n3A, %reduce_min3A_52 [1] : vector<8x1024xi32> to vector<8xi32>
      %broadcast_in_dim3A_54 = vector.shape_cast %reduce_min3A_53 : vector<8xi32> to vector<8x1xi32>
      scf.yield %min3A_46, %broadcast_in_dim3A_54, %add3A : vector<8x1024xf32>, vector<8x1xi32>, vector<8x512xi32>
    }
    %scan3A_17 = arith.constant 512 : i32
    %swap3A = arith.constant 0 : index
    %swap3A_18 = arith.constant 0 : index
    %swap3A_19 = vector.load %arg1[%swap3A, %swap3A_18] : memref<8x512xi32, #tpu.memory_space<vmem>>, vector<8x512xi32>
    tpu.vector_store %arg1[%swap3A, %swap3A_18], %scan3A_16#2 {strides = array<i32>} : memref<8x512xi32, #tpu.memory_space<vmem>>, vector<8x512xi32>,
    return
  }
}

module attributes {stable_mosaic.version = 14 : i64} {
  func.func @_fps_body(%arg0: memref<24x512xf32, #tpu.memory_space<vmem>>, %arg1: memref<8x128xi32, #tpu.memory_space<vmem>>) attributes {dimension_semantics = [], scalar_prefetch = 0 : i64, scratch_operands = 0 : i64, tpu.core_type = #tpu.core_type<tc>} {
    %get3A = arith.constant 0 : index
    %get3A_0 = arith.constant 0 : index
    %get3A_1 = vector.load %arg0[%get3A, %get3A_0] : memref<24x512xf32, #tpu.memory_space<vmem>>, vector<24x512xf32>
    %slice3A = vector.extract_strided_slice %get3A_1 {offsets = [0, 0], sizes = [8, 512], strides = [1, 1]} : vector<24x512xf32> to vector<8x512xf32>
    %slice3A_2 = vector.extract_strided_slice %get3A_1 {offsets = [8, 0], sizes = [8, 512], strides = [1, 1]} : vector<24x512xf32> to vector<8x512xf32>
    %slice3A_3 = vector.extract_strided_slice %get3A_1 {offsets = [16, 0], sizes = [8, 512], strides = [1, 1]} : vector<24x512xf32> to vector<8x512xf32>
    %iota3A = tpu.iota {dimensions = array<i32: 1>} : vector<8x512xi32>
    %iota3A_4 = tpu.iota {dimensions = array<i32: 1>} : vector<8x128xi32>
    %broadcast_in_dim3A = arith.constant 1.000000e+10 : f32
    %broadcast_in_dim3A_5 = vector.broadcast %broadcast_in_dim3A : f32 to vector<8x512xf32>
    %iota3A_6 = tpu.iota {dimensions = array<i32: 0>} : vector<8x512xi32>
    %iota3A_7 = tpu.iota {dimensions = array<i32: 0>} : vector<8x128xi32>
    %mul3A = arith.muli %iota3A, %iota3A_6 : vector<8x512xi32>
    %reduce_min3A = arith.constant dense<2147483647> : vector<8xi32>
    %reduce_min3A_8 = vector.multi_reduction <minsi>, %mul3A, %reduce_min3A [1] : vector<8x512xi32> to vector<8xi32>
    %broadcast_in_dim3A_9 = vector.shape_cast %reduce_min3A_8 : vector<8xi32> to vector<8x1xi32>
    %mul3A_10 = arith.muli %iota3A_4, %iota3A_7 : vector<8x128xi32>
    %min3A = arith.constant 0 : i32
    %min3A_11 = vector.broadcast %min3A : i32 to vector<8x128xi32>
    %min3A_12 = arith.minsi %mul3A_10, %min3A_11 : vector<8x128xi32>
    %scan3A = arith.constant 0 : i32
    %scan3A_13 = arith.constant 128 : i32
    %scan3A_14 = arith.addi %scan3A, %scan3A_13 : i32
    %scan3A_15 = arith.constant 1 : i32
    %scan3A_16:3 = scf.for %scan3A_20 = %scan3A to %scan3A_14 step %scan3A_15 iter_args(%scan3A_21 = %broadcast_in_dim3A_5, %scan3A_22 = %broadcast_in_dim3A_9, %scan3A_23 = %min3A_12) -> (vector<8x512xf32>, vector<8x1xi32>, vector<8x128xi32>)  : i32 {
      %eq3A = vector.broadcast %scan3A_20 : i32 to vector<8x128xi32>
      %eq3A_24 = arith.cmpi eq, %iota3A_4, %eq3A : vector<8x128xi32>
      %convert_element_type3A = arith.extui %eq3A_24 : vector<8x128xi1> to vector<8x128xi32>
      %mul3A_25 = vector.broadcast %scan3A_22 : vector<8x1xi32> to vector<8x128xi32>
      %mul3A_26 = arith.muli %convert_element_type3A, %mul3A_25 : vector<8x128xi32>
      %add3A = arith.addi %scan3A_23, %mul3A_26 : vector<8x128xi32>
      %eq3A_27 = vector.broadcast %scan3A_22 : vector<8x1xi32> to vector<8x512xi32>
      %eq3A_28 = arith.cmpi eq, %iota3A, %eq3A_27 : vector<8x512xi32>
      %convert_element_type3A_29 = arith.extui %eq3A_28 : vector<8x512xi1> to vector<8x512xi32>
      %convert_element_type3A_30 = arith.sitofp %convert_element_type3A_29 : vector<8x512xi32> to vector<8x512xf32>
      %concatenate3A = tpu.concatenate %convert_element_type3A_30, %convert_element_type3A_30, %convert_element_type3A_30 in 0 : vector<8x512xf32>, vector<8x512xf32>, vector<8x512xf32> -> vector<24x512xf32>
      %mul3A_31 = arith.mulf %get3A_1, %concatenate3A : vector<24x512xf32>
      %reduce_sum3A = arith.constant dense<0.000000e+00> : vector<24xf32>
      %reduce_sum3A_32 = vector.multi_reduction <add>, %mul3A_31, %reduce_sum3A [1] : vector<24x512xf32> to vector<24xf32>
      %broadcast_in_dim3A_33 = vector.shape_cast %reduce_sum3A_32 : vector<24xf32> to vector<24x1xf32>
      %slice3A_34 = vector.extract_strided_slice %broadcast_in_dim3A_33 {offsets = [0, 0], sizes = [8, 1], strides = [1, 1]} : vector<24x1xf32> to vector<8x1xf32>
      %slice3A_35 = vector.extract_strided_slice %broadcast_in_dim3A_33 {offsets = [8, 0], sizes = [8, 1], strides = [1, 1]} : vector<24x1xf32> to vector<8x1xf32>
      %slice3A_36 = vector.extract_strided_slice %broadcast_in_dim3A_33 {offsets = [16, 0], sizes = [8, 1], strides = [1, 1]} : vector<24x1xf32> to vector<8x1xf32>
      %sub3A = vector.broadcast %slice3A_34 : vector<8x1xf32> to vector<8x512xf32>
      %sub3A_37 = arith.subf %slice3A, %sub3A : vector<8x512xf32>
      %integer_pow3A = arith.mulf %sub3A_37, %sub3A_37 : vector<8x512xf32>
      %sub3A_38 = vector.broadcast %slice3A_35 : vector<8x1xf32> to vector<8x512xf32>
      %sub3A_39 = arith.subf %slice3A_2, %sub3A_38 : vector<8x512xf32>
      %integer_pow3A_40 = arith.mulf %sub3A_39, %sub3A_39 : vector<8x512xf32>
      %add3A_41 = arith.addf %integer_pow3A, %integer_pow3A_40 : vector<8x512xf32>
      %sub3A_42 = vector.broadcast %slice3A_36 : vector<8x1xf32> to vector<8x512xf32>
      %sub3A_43 = arith.subf %slice3A_3, %sub3A_42 : vector<8x512xf32>
      %integer_pow3A_44 = arith.mulf %sub3A_43, %sub3A_43 : vector<8x512xf32>
      %add3A_45 = arith.addf %add3A_41, %integer_pow3A_44 : vector<8x512xf32>
      %min3A_46 = arith.minimumf %scan3A_21, %add3A_45 : vector<8x512xf32>
      %reduce_max3A = arith.constant dense<0xFF800000> : vector<8xf32>
      %reduce_max3A_47 = vector.multi_reduction <maximumf>, %min3A_46, %reduce_max3A [1] : vector<8x512xf32> to vector<8xf32>
      %broadcast_in_dim3A_48 = vector.shape_cast %reduce_max3A_47 : vector<8xf32> to vector<8x1xf32>
      %eq3A_49 = vector.broadcast %broadcast_in_dim3A_48 : vector<8x1xf32> to vector<8x512xf32>
      %eq3A_50 = arith.cmpf oeq, %min3A_46, %eq3A_49 : vector<8x512xf32>
      %jit3A = arith.constant 512 : i32
      %broadcast_in_dim3A_51 = vector.broadcast %jit3A : i32 to vector<8x512xi32>
      %select_n3A = arith.select %eq3A_50, %iota3A, %broadcast_in_dim3A_51 : vector<8x512xi1>, vector<8x512xi32>
      %reduce_min3A_52 = arith.constant dense<2147483647> : vector<8xi32>
      %reduce_min3A_53 = vector.multi_reduction <minsi>, %select_n3A, %reduce_min3A_52 [1] : vector<8x512xi32> to vector<8xi32>
      %broadcast_in_dim3A_54 = vector.shape_cast %reduce_min3A_53 : vector<8xi32> to vector<8x1xi32>
      scf.yield %min3A_46, %broadcast_in_dim3A_54, %add3A : vector<8x512xf32>, vector<8x1xi32>, vector<8x128xi32>
    }
    %scan3A_17 = arith.constant 128 : i32
    %swap3A = arith.constant 0 : index
    %swap3A_18 = arith.constant 0 : index
    %swap3A_19 = vector.load %arg1[%swap3A, %swap3A_18] : memref<8x128xi32, #tpu.memory_space<vmem>>, vector<8x128xi32>
    tpu.vector_store %arg1[%swap3A, %swap3A_18], %scan3A_16#2 {strides = array<i32>} : memref<8x128xi32, #tpu.memory_space<vmem>>, vector<8x128xi32>,
    return
  }
}

module attributes {stable_mosaic.version = 14 : i64} {
  func.func @_ball_sa_body(%arg0: i32, %arg1: i32, %arg2: memref<1x1024x131xbf16, #tpu.memory_space<vmem>>, %arg3: memref<1x1x1024xf32, #tpu.memory_space<vmem>>, %arg4: memref<1x1x1024xf32, #tpu.memory_space<vmem>>, %arg5: memref<1x1x1024xf32, #tpu.memory_space<vmem>>, %arg6: memref<1x256x1xf32, #tpu.memory_space<vmem>>, %arg7: memref<1x256x1xf32, #tpu.memory_space<vmem>>, %arg8: memref<1x256x1xf32, #tpu.memory_space<vmem>>, %arg9: memref<1024x1024xbf16, #tpu.memory_space<vmem>>, %arg10: memref<3x64xbf16, #tpu.memory_space<vmem>>, %arg11: memref<3x64xbf16, #tpu.memory_space<vmem>>, %arg12: memref<1x64xf32, #tpu.memory_space<vmem>>, %arg13: memref<1x64xf32, #tpu.memory_space<vmem>>, %arg14: memref<1x64xf32, #tpu.memory_space<vmem>>, %arg15: memref<64x64xbf16, #tpu.memory_space<vmem>>, %arg16: memref<64x64xbf16, #tpu.memory_space<vmem>>, %arg17: memref<1x64xf32, #tpu.memory_space<vmem>>, %arg18: memref<1x64xf32, #tpu.memory_space<vmem>>, %arg19: memref<1x64xf32, #tpu.memory_space<vmem>>, %arg20: memref<64x128xbf16, #tpu.memory_space<vmem>>, %arg21: memref<64x128xbf16, #tpu.memory_space<vmem>>, %arg22: memref<1x128xf32, #tpu.memory_space<vmem>>, %arg23: memref<1x128xf32, #tpu.memory_space<vmem>>, %arg24: memref<1x128xf32, #tpu.memory_space<vmem>>, %arg25: memref<1x256x128xf32, #tpu.memory_space<vmem>>) attributes {dimension_semantics = [#tpu.dimension_semantics<arbitrary>, #tpu.dimension_semantics<arbitrary>], iteration_bounds = array<i64: 8, 2>, scalar_prefetch = 0 : i64, scratch_operands = 0 : i64, tpu.core_type = #tpu.core_type<tc>, window_params = [{transform_indices = @transform_0, window_bounds = array<i64: 1, 1024, 131>}, {transform_indices = @transform_1, window_bounds = array<i64: 1, 1, 1024>}, {transform_indices = @transform_2, window_bounds = array<i64: 1, 1, 1024>}, {transform_indices = @transform_3, window_bounds = array<i64: 1, 1, 1024>}, {transform_indices = @transform_4, window_bounds = array<i64: 1, 256, 1>}, {transform_indices = @transform_5, window_bounds = array<i64: 1, 256, 1>}, {transform_indices = @transform_6, window_bounds = array<i64: 1, 256, 1>}, {pipeline_mode = #tpu.pipeline_mode<synchronous>, transform_indices = @transform_7, window_bounds = array<i64: 1024, 1024>}, {pipeline_mode = #tpu.pipeline_mode<synchronous>, transform_indices = @transform_8, window_bounds = array<i64: 3, 64>}, {pipeline_mode = #tpu.pipeline_mode<synchronous>, transform_indices = @transform_9, window_bounds = array<i64: 3, 64>}, {pipeline_mode = #tpu.pipeline_mode<synchronous>, transform_indices = @transform_10, window_bounds = array<i64: 1, 64>}, {pipeline_mode = #tpu.pipeline_mode<synchronous>, transform_indices = @transform_11, window_bounds = array<i64: 1, 64>}, {pipeline_mode = #tpu.pipeline_mode<synchronous>, transform_indices = @transform_12, window_bounds = array<i64: 1, 64>}, {pipeline_mode = #tpu.pipeline_mode<synchronous>, transform_indices = @transform_13, window_bounds = array<i64: 64, 64>}, {pipeline_mode = #tpu.pipeline_mode<synchronous>, transform_indices = @transform_14, window_bounds = array<i64: 64, 64>}, {pipeline_mode = #tpu.pipeline_mode<synchronous>, transform_indices = @transform_15, window_bounds = array<i64: 1, 64>}, {pipeline_mode = #tpu.pipeline_mode<synchronous>, transform_indices = @transform_16, window_bounds = array<i64: 1, 64>}, {pipeline_mode = #tpu.pipeline_mode<synchronous>, transform_indices = @transform_17, window_bounds = array<i64: 1, 64>}, {pipeline_mode = #tpu.pipeline_mode<synchronous>, transform_indices = @transform_18, window_bounds = array<i64: 64, 128>}, {pipeline_mode = #tpu.pipeline_mode<synchronous>, transform_indices = @transform_19, window_bounds = array<i64: 64, 128>}, {pipeline_mode = #tpu.pipeline_mode<synchronous>, transform_indices = @transform_20, window_bounds = array<i64: 1, 128>}, {pipeline_mode = #tpu.pipeline_mode<synchronous>, transform_indices = @transform_21, window_bounds = array<i64: 1, 128>}, {pipeline_mode = #tpu.pipeline_mode<synchronous>, transform_indices = @transform_22, window_bounds = array<i64: 1, 128>}, {transform_indices = @transform_23, window_bounds = array<i64: 1, 256, 128>}]} {
    %get3A = arith.constant 0 : index
    %get3A_0 = arith.constant 0 : index
    %get3A_1 = arith.constant 0 : index
    %get3A_2 = vector.load %arg3[%get3A, %get3A_0, %get3A_1] : memref<1x1x1024xf32, #tpu.memory_space<vmem>>, vector<1x1x1024xf32>
    %get3A_3 = vector.shape_cast %get3A_2 : vector<1x1x1024xf32> to vector<1x1024xf32>
    %get3A_4 = arith.constant 0 : index
    %get3A_5 = arith.constant 0 : index
    %get3A_6 = arith.constant 0 : index
    %get3A_7 = vector.load %arg4[%get3A_4, %get3A_5, %get3A_6] : memref<1x1x1024xf32, #tpu.memory_space<vmem>>, vector<1x1x1024xf32>
    %get3A_8 = vector.shape_cast %get3A_7 : vector<1x1x1024xf32> to vector<1x1024xf32>
    %get3A_9 = arith.constant 0 : index
    %get3A_10 = arith.constant 0 : index
    %get3A_11 = arith.constant 0 : index
    %get3A_12 = vector.load %arg5[%get3A_9, %get3A_10, %get3A_11] : memref<1x1x1024xf32, #tpu.memory_space<vmem>>, vector<1x1x1024xf32>
    %get3A_13 = vector.shape_cast %get3A_12 : vector<1x1x1024xf32> to vector<1x1024xf32>
    %get3A_14 = arith.constant 0 : index
    %get3A_15 = arith.constant 0 : index
    %get3A_16 = arith.constant 0 : index
    %get3A_17 = vector.load %arg6[%get3A_14, %get3A_15, %get3A_16] : memref<1x256x1xf32, #tpu.memory_space<vmem>>, vector<1x256x1xf32>
    %get3A_18 = vector.shape_cast %get3A_17 : vector<1x256x1xf32> to vector<256x1xf32>
    %get3A_19 = arith.constant 0 : index
    %get3A_20 = arith.constant 0 : index
    %get3A_21 = arith.constant 0 : index
    %get3A_22 = vector.load %arg7[%get3A_19, %get3A_20, %get3A_21] : memref<1x256x1xf32, #tpu.memory_space<vmem>>, vector<1x256x1xf32>
    %get3A_23 = vector.shape_cast %get3A_22 : vector<1x256x1xf32> to vector<256x1xf32>
    %get3A_24 = arith.constant 0 : index
    %get3A_25 = arith.constant 0 : index
    %get3A_26 = arith.constant 0 : index
    %get3A_27 = vector.load %arg8[%get3A_24, %get3A_25, %get3A_26] : memref<1x256x1xf32, #tpu.memory_space<vmem>>, vector<1x256x1xf32>
    %get3A_28 = vector.shape_cast %get3A_27 : vector<1x256x1xf32> to vector<256x1xf32>
    %mul3A = arith.mulf %get3A_3, %get3A_3 : vector<1x1024xf32>
    %mul3A_29 = arith.mulf %get3A_8, %get3A_8 : vector<1x1024xf32>
    %add3A = arith.addf %mul3A, %mul3A_29 : vector<1x1024xf32>
    %mul3A_30 = arith.mulf %get3A_13, %get3A_13 : vector<1x1024xf32>
    %add3A_31 = arith.addf %add3A, %mul3A_30 : vector<1x1024xf32>
    %mul3A_32 = arith.mulf %get3A_18, %get3A_18 : vector<256x1xf32>
    %mul3A_33 = arith.mulf %get3A_23, %get3A_23 : vector<256x1xf32>
    %add3A_34 = arith.addf %mul3A_32, %mul3A_33 : vector<256x1xf32>
    %mul3A_35 = arith.mulf %get3A_28, %get3A_28 : vector<256x1xf32>
    %add3A_36 = arith.addf %add3A_34, %mul3A_35 : vector<256x1xf32>
    %mul3A_37 = vector.broadcast %get3A_18 : vector<256x1xf32> to vector<256x1024xf32>
    %mul3A_38 = vector.broadcast %get3A_3 : vector<1x1024xf32> to vector<256x1024xf32>
    %mul3A_39 = arith.mulf %mul3A_37, %mul3A_38 : vector<256x1024xf32>
    %mul3A_40 = vector.broadcast %get3A_23 : vector<256x1xf32> to vector<256x1024xf32>
    %mul3A_41 = vector.broadcast %get3A_8 : vector<1x1024xf32> to vector<256x1024xf32>
    %mul3A_42 = arith.mulf %mul3A_40, %mul3A_41 : vector<256x1024xf32>
    %add3A_43 = arith.addf %mul3A_39, %mul3A_42 : vector<256x1024xf32>
    %mul3A_44 = vector.broadcast %get3A_28 : vector<256x1xf32> to vector<256x1024xf32>
    %mul3A_45 = vector.broadcast %get3A_13 : vector<1x1024xf32> to vector<256x1024xf32>
    %mul3A_46 = arith.mulf %mul3A_44, %mul3A_45 : vector<256x1024xf32>
    %add3A_47 = arith.addf %add3A_43, %mul3A_46 : vector<256x1024xf32>
    %add3A_48 = vector.broadcast %add3A_36 : vector<256x1xf32> to vector<256x1024xf32>
    %add3A_49 = vector.broadcast %add3A_31 : vector<1x1024xf32> to vector<256x1024xf32>
    %add3A_50 = arith.addf %add3A_48, %add3A_49 : vector<256x1024xf32>
    %mul3A_51 = arith.constant 2.000000e+00 : f32
    %mul3A_52 = vector.broadcast %mul3A_51 : f32 to vector<256x1024xf32>
    %mul3A_53 = arith.mulf %mul3A_52, %add3A_47 : vector<256x1024xf32>
    %sub3A = arith.subf %add3A_50, %mul3A_53 : vector<256x1024xf32>
    %le3A = arith.constant 4.000000e-02 : f32
    %le3A_54 = vector.broadcast %le3A : f32 to vector<256x1024xf32>
    %le3A_55 = arith.cmpf ole, %sub3A, %le3A_54 : vector<256x1024xf32>
    %convert_element_type3A = arith.extui %le3A_55 : vector<256x1024xi1> to vector<256x1024xi32>
    %convert_element_type3A_56 = arith.sitofp %convert_element_type3A : vector<256x1024xi32> to vector<256x1024xf32>
    %convert_element_type3A_57 = arith.truncf %convert_element_type3A_56 : vector<256x1024xf32> to vector<256x1024xbf16>
    %get3A_58 = arith.constant 0 : index
    %get3A_59 = arith.constant 0 : index
    %get3A_60 = vector.load %arg9[%get3A_58, %get3A_59] : memref<1024x1024xbf16, #tpu.memory_space<vmem>>, vector<1024x1024xbf16>
    %dot_general3A = arith.constant dense<0.000000e+00> : vector<256x1024xf32>
    %dot_general3A_61 = tpu.matmul %convert_element_type3A_57, %get3A_60, %dot_general3A {dimension_numbers = #tpu.dot_dimension_numbers<[1], [0], [0], [1], [0, 0, 1, 1], [], []>, transpose_lhs_hint = false} : vector<256x1024xbf16>, vector<1024x1024xbf16>, vector<256x1024xf32> -> vector<256x1024xf32>
    %convert_element_type3A_62 = arith.extf %convert_element_type3A_57 : vector<256x1024xbf16> to vector<256x1024xf32>
    %mul3A_63 = arith.mulf %dot_general3A_61, %convert_element_type3A_62 : vector<256x1024xf32>
    %convert_element_type3A_64 = arith.truncf %mul3A_63 : vector<256x1024xf32> to vector<256x1024xbf16>
    %reduce_max3A = arith.constant dense<0xFF800000> : vector<256xf32>
    %reduce_max3A_65 = vector.multi_reduction <maximumf>, %dot_general3A_61, %reduce_max3A [1] : vector<256x1024xf32> to vector<256xf32>
    %broadcast_in_dim3A = vector.shape_cast %reduce_max3A_65 : vector<256xf32> to vector<256x1xf32>
    %broadcast_in_dim3A_66 = vector.shape_cast %broadcast_in_dim3A : vector<256x1xf32> to vector<256x1x1xf32>
    %iota3A = tpu.iota {dimensions = array<i32: 1>} : vector<256x32x1xi32>
    %convert_element_type3A_67 = arith.sitofp %iota3A : vector<256x32x1xi32> to vector<256x32x1xf32>
    %lt3A = vector.broadcast %broadcast_in_dim3A_66 : vector<256x1x1xf32> to vector<256x32x1xf32>
    %lt3A_68 = arith.cmpf olt, %convert_element_type3A_67, %lt3A : vector<256x32x1xf32>
    %add3A_69 = arith.constant 1.000000e+00 : f32
    %add3A_70 = vector.broadcast %add3A_69 : f32 to vector<256x32x1xf32>
    %add3A_71 = arith.addf %convert_element_type3A_67, %add3A_70 : vector<256x32x1xf32>
    %jit3A = arith.constant 1.000000e+00 : f32
    %broadcast_in_dim3A_72 = vector.broadcast %jit3A : f32 to vector<256x32x1xf32>
    %select_n3A = arith.select %lt3A_68, %add3A_71, %broadcast_in_dim3A_72 : vector<256x32x1xi1>, vector<256x32x1xf32>
    %convert_element_type3A_73 = arith.truncf %select_n3A : vector<256x32x1xf32> to vector<256x32x1xbf16>
    %broadcast_in_dim3A_74 = vector.shape_cast %convert_element_type3A_64 : vector<256x1024xbf16> to vector<256x1x1024xbf16>
    %broadcast_in_dim3A_75 = vector.shape_cast %broadcast_in_dim3A_74 : vector<256x1x1024xbf16> to vector<256x1x1024xbf16>
    %broadcast_in_dim3A_76 = vector.broadcast %broadcast_in_dim3A_75 : vector<256x1x1024xbf16> to vector<256x32x1024xbf16>
    %eq3A = vector.broadcast %convert_element_type3A_73 : vector<256x32x1xbf16> to vector<256x32x1024xbf16>
    %eq3A_77 = arith.cmpf oeq, %broadcast_in_dim3A_76, %eq3A : vector<256x32x1024xbf16>
    %convert_element_type3A_78 = arith.extui %eq3A_77 : vector<256x32x1024xi1> to vector<256x32x1024xi32>
    %convert_element_type3A_79 = arith.sitofp %convert_element_type3A_78 : vector<256x32x1024xi32> to vector<256x32x1024xf32>
    %convert_element_type3A_80 = arith.truncf %convert_element_type3A_79 : vector<256x32x1024xf32> to vector<256x32x1024xbf16>
    %reshape3A = vector.shape_cast %convert_element_type3A_80 : vector<256x32x1024xbf16> to vector<8192x1024xbf16>
    %get3A_81 = arith.constant 0 : index
    %get3A_82 = arith.constant 0 : index
    %get3A_83 = arith.constant 0 : index
    %get3A_84 = vector.load %arg2[%get3A_81, %get3A_82, %get3A_83] : memref<1x1024x131xbf16, #tpu.memory_space<vmem>>, vector<1x1024x131xbf16>
    %get3A_85 = vector.shape_cast %get3A_84 : vector<1x1024x131xbf16> to vector<1024x131xbf16>
    %dot_general3A_86 = arith.constant dense<0.000000e+00> : vector<8192x131xf32>
    %dot_general3A_87 = tpu.matmul %reshape3A, %get3A_85, %dot_general3A_86 {dimension_numbers = #tpu.dot_dimension_numbers<[1], [0], [0], [1], [0, 0, 1, 1], [], []>, transpose_lhs_hint = false} : vector<8192x1024xbf16>, vector<1024x131xbf16>, vector<8192x131xf32> -> vector<8192x131xf32>
    %slice3A = vector.extract_strided_slice %dot_general3A_87 {offsets = [0, 0], sizes = [8192, 3], strides = [1, 1]} : vector<8192x131xf32> to vector<8192x3xf32>
    %slice3A_88 = vector.extract_strided_slice %dot_general3A_87 {offsets = [0, 128], sizes = [8192, 3], strides = [1, 1]} : vector<8192x131xf32> to vector<8192x3xf32>
    %add3A_89 = arith.addf %slice3A, %slice3A_88 : vector<8192x3xf32>
    %iota3A_90 = tpu.iota {dimensions = array<i32: 1>} : vector<256x3xi32>
    %eq3A_91 = arith.constant 0 : i32
    %eq3A_92 = vector.broadcast %eq3A_91 : i32 to vector<256x3xi32>
    %eq3A_93 = arith.cmpi eq, %iota3A_90, %eq3A_92 : vector<256x3xi32>
    %convert_element_type3A_94 = arith.extui %eq3A_93 : vector<256x3xi1> to vector<256x3xi32>
    %convert_element_type3A_95 = arith.sitofp %convert_element_type3A_94 : vector<256x3xi32> to vector<256x3xf32>
    %mul3A_96 = vector.broadcast %get3A_18 : vector<256x1xf32> to vector<256x3xf32>
    %mul3A_97 = arith.mulf %mul3A_96, %convert_element_type3A_95 : vector<256x3xf32>
    %eq3A_98 = arith.constant 1 : i32
    %eq3A_99 = vector.broadcast %eq3A_98 : i32 to vector<256x3xi32>
    %eq3A_100 = arith.cmpi eq, %iota3A_90, %eq3A_99 : vector<256x3xi32>
    %convert_element_type3A_101 = arith.extui %eq3A_100 : vector<256x3xi1> to vector<256x3xi32>
    %convert_element_type3A_102 = arith.sitofp %convert_element_type3A_101 : vector<256x3xi32> to vector<256x3xf32>
    %mul3A_103 = vector.broadcast %get3A_23 : vector<256x1xf32> to vector<256x3xf32>
    %mul3A_104 = arith.mulf %mul3A_103, %convert_element_type3A_102 : vector<256x3xf32>
    %add3A_105 = arith.addf %mul3A_97, %mul3A_104 : vector<256x3xf32>
    %eq3A_106 = arith.constant 2 : i32
    %eq3A_107 = vector.broadcast %eq3A_106 : i32 to vector<256x3xi32>
    %eq3A_108 = arith.cmpi eq, %iota3A_90, %eq3A_107 : vector<256x3xi32>
    %convert_element_type3A_109 = arith.extui %eq3A_108 : vector<256x3xi1> to vector<256x3xi32>
    %convert_element_type3A_110 = arith.sitofp %convert_element_type3A_109 : vector<256x3xi32> to vector<256x3xf32>
    %mul3A_111 = vector.broadcast %get3A_28 : vector<256x1xf32> to vector<256x3xf32>
    %mul3A_112 = arith.mulf %mul3A_111, %convert_element_type3A_110 : vector<256x3xf32>
    %add3A_113 = arith.addf %add3A_105, %mul3A_112 : vector<256x3xf32>
    %broadcast_in_dim3A_114 = vector.shape_cast %add3A_113 : vector<256x3xf32> to vector<256x1x3xf32>
    %broadcast_in_dim3A_115 = vector.shape_cast %broadcast_in_dim3A_114 : vector<256x1x3xf32> to vector<256x1x3xf32>
    %broadcast_in_dim3A_116 = vector.broadcast %broadcast_in_dim3A_115 : vector<256x1x3xf32> to vector<256x32x3xf32>
    %reshape3A_117 = vector.shape_cast %broadcast_in_dim3A_116 : vector<256x32x3xf32> to vector<8192x3xf32>
    %sub3A_118 = arith.subf %add3A_89, %reshape3A_117 : vector<8192x3xf32>
    %get3A_119 = arith.constant 0 : index
    %get3A_120 = arith.constant 0 : index
    %get3A_121 = vector.load %arg10[%get3A_119, %get3A_120] : memref<3x64xbf16, #tpu.memory_space<vmem>>, vector<3x64xbf16>
    %get3A_122 = arith.constant 0 : index
    %get3A_123 = arith.constant 0 : index
    %get3A_124 = vector.load %arg11[%get3A_122, %get3A_123] : memref<3x64xbf16, #tpu.memory_space<vmem>>, vector<3x64xbf16>
    %convert_element_type3A_125 = arith.truncf %sub3A_118 : vector<8192x3xf32> to vector<8192x3xbf16>
    %convert_element_type3A_126 = arith.extf %convert_element_type3A_125 : vector<8192x3xbf16> to vector<8192x3xf32>
    %sub3A_127 = arith.subf %sub3A_118, %convert_element_type3A_126 : vector<8192x3xf32>
    %convert_element_type3A_128 = arith.truncf %sub3A_127 : vector<8192x3xf32> to vector<8192x3xbf16>
    %dot_general3A_129 = arith.constant dense<0.000000e+00> : vector<8192x64xf32>
    %dot_general3A_130 = tpu.matmul %convert_element_type3A_125, %get3A_121, %dot_general3A_129 {dimension_numbers = #tpu.dot_dimension_numbers<[1], [0], [0], [1], [0, 0, 1, 1], [], []>, transpose_lhs_hint = false} : vector<8192x3xbf16>, vector<3x64xbf16>, vector<8192x64xf32> -> vector<8192x64xf32>
    %dot_general3A_131 = arith.constant dense<0.000000e+00> : vector<8192x64xf32>
    %dot_general3A_132 = tpu.matmul %convert_element_type3A_125, %get3A_124, %dot_general3A_131 {dimension_numbers = #tpu.dot_dimension_numbers<[1], [0], [0], [1], [0, 0, 1, 1], [], []>, transpose_lhs_hint = false} : vector<8192x3xbf16>, vector<3x64xbf16>, vector<8192x64xf32> -> vector<8192x64xf32>
    %dot_general3A_133 = arith.constant dense<0.000000e+00> : vector<8192x64xf32>
    %dot_general3A_134 = tpu.matmul %convert_element_type3A_128, %get3A_121, %dot_general3A_133 {dimension_numbers = #tpu.dot_dimension_numbers<[1], [0], [0], [1], [0, 0, 1, 1], [], []>, transpose_lhs_hint = false} : vector<8192x3xbf16>, vector<3x64xbf16>, vector<8192x64xf32> -> vector<8192x64xf32>
    %add3A_135 = arith.addf %dot_general3A_132, %dot_general3A_134 : vector<8192x64xf32>
    %add3A_136 = arith.addf %dot_general3A_130, %add3A_135 : vector<8192x64xf32>
    %get3A_137 = arith.constant 0 : index
    %get3A_138 = arith.constant 0 : index
    %get3A_139 = vector.load %arg12[%get3A_137, %get3A_138] : memref<1x64xf32, #tpu.memory_space<vmem>>, vector<1x64xf32>
    %add3A_140 = vector.broadcast %get3A_139 : vector<1x64xf32> to vector<8192x64xf32>
    %add3A_141 = arith.addf %add3A_136, %add3A_140 : vector<8192x64xf32>
    %get3A_142 = arith.constant 0 : index
    %get3A_143 = arith.constant 0 : index
    %get3A_144 = vector.load %arg13[%get3A_142, %get3A_143] : memref<1x64xf32, #tpu.memory_space<vmem>>, vector<1x64xf32>
    %mul3A_145 = vector.broadcast %get3A_144 : vector<1x64xf32> to vector<8192x64xf32>
    %mul3A_146 = arith.mulf %mul3A_145, %add3A_141 : vector<8192x64xf32>
    %get3A_147 = arith.constant 0 : index
    %get3A_148 = arith.constant 0 : index
    %get3A_149 = vector.load %arg14[%get3A_147, %get3A_148] : memref<1x64xf32, #tpu.memory_space<vmem>>, vector<1x64xf32>
    %add3A_150 = vector.broadcast %get3A_149 : vector<1x64xf32> to vector<8192x64xf32>
    %add3A_151 = arith.addf %mul3A_146, %add3A_150 : vector<8192x64xf32>
    %max3A = arith.constant 0.000000e+00 : f32
    %max3A_152 = vector.broadcast %max3A : f32 to vector<8192x64xf32>
    %max3A_153 = arith.maximumf %add3A_151, %max3A_152 : vector<8192x64xf32>
    %get3A_154 = arith.constant 0 : index
    %get3A_155 = arith.constant 0 : index
    %get3A_156 = vector.load %arg15[%get3A_154, %get3A_155] : memref<64x64xbf16, #tpu.memory_space<vmem>>, vector<64x64xbf16>
    %get3A_157 = arith.constant 0 : index
    %get3A_158 = arith.constant 0 : index
    %get3A_159 = vector.load %arg16[%get3A_157, %get3A_158] : memref<64x64xbf16, #tpu.memory_space<vmem>>, vector<64x64xbf16>
    %convert_element_type3A_160 = arith.truncf %max3A_153 : vector<8192x64xf32> to vector<8192x64xbf16>
    %convert_element_type3A_161 = arith.extf %convert_element_type3A_160 : vector<8192x64xbf16> to vector<8192x64xf32>
    %sub3A_162 = arith.subf %max3A_153, %convert_element_type3A_161 : vector<8192x64xf32>
    %convert_element_type3A_163 = arith.truncf %sub3A_162 : vector<8192x64xf32> to vector<8192x64xbf16>
    %dot_general3A_164 = arith.constant dense<0.000000e+00> : vector<8192x64xf32>
    %dot_general3A_165 = tpu.matmul %convert_element_type3A_160, %get3A_156, %dot_general3A_164 {dimension_numbers = #tpu.dot_dimension_numbers<[1], [0], [0], [1], [0, 0, 1, 1], [], []>, transpose_lhs_hint = false} : vector<8192x64xbf16>, vector<64x64xbf16>, vector<8192x64xf32> -> vector<8192x64xf32>
    %dot_general3A_166 = arith.constant dense<0.000000e+00> : vector<8192x64xf32>
    %dot_general3A_167 = tpu.matmul %convert_element_type3A_160, %get3A_159, %dot_general3A_166 {dimension_numbers = #tpu.dot_dimension_numbers<[1], [0], [0], [1], [0, 0, 1, 1], [], []>, transpose_lhs_hint = false} : vector<8192x64xbf16>, vector<64x64xbf16>, vector<8192x64xf32> -> vector<8192x64xf32>
    %dot_general3A_168 = arith.constant dense<0.000000e+00> : vector<8192x64xf32>
    %dot_general3A_169 = tpu.matmul %convert_element_type3A_163, %get3A_156, %dot_general3A_168 {dimension_numbers = #tpu.dot_dimension_numbers<[1], [0], [0], [1], [0, 0, 1, 1], [], []>, transpose_lhs_hint = false} : vector<8192x64xbf16>, vector<64x64xbf16>, vector<8192x64xf32> -> vector<8192x64xf32>
    %add3A_170 = arith.addf %dot_general3A_167, %dot_general3A_169 : vector<8192x64xf32>
    %add3A_171 = arith.addf %dot_general3A_165, %add3A_170 : vector<8192x64xf32>
    %get3A_172 = arith.constant 0 : index
    %get3A_173 = arith.constant 0 : index
    %get3A_174 = vector.load %arg17[%get3A_172, %get3A_173] : memref<1x64xf32, #tpu.memory_space<vmem>>, vector<1x64xf32>
    %add3A_175 = vector.broadcast %get3A_174 : vector<1x64xf32> to vector<8192x64xf32>
    %add3A_176 = arith.addf %add3A_171, %add3A_175 : vector<8192x64xf32>
    %get3A_177 = arith.constant 0 : index
    %get3A_178 = arith.constant 0 : index
    %get3A_179 = vector.load %arg18[%get3A_177, %get3A_178] : memref<1x64xf32, #tpu.memory_space<vmem>>, vector<1x64xf32>
    %mul3A_180 = vector.broadcast %get3A_179 : vector<1x64xf32> to vector<8192x64xf32>
    %mul3A_181 = arith.mulf %mul3A_180, %add3A_176 : vector<8192x64xf32>
    %get3A_182 = arith.constant 0 : index
    %get3A_183 = arith.constant 0 : index
    %get3A_184 = vector.load %arg19[%get3A_182, %get3A_183] : memref<1x64xf32, #tpu.memory_space<vmem>>, vector<1x64xf32>
    %add3A_185 = vector.broadcast %get3A_184 : vector<1x64xf32> to vector<8192x64xf32>
    %add3A_186 = arith.addf %mul3A_181, %add3A_185 : vector<8192x64xf32>
    %max3A_187 = arith.constant 0.000000e+00 : f32
    %max3A_188 = vector.broadcast %max3A_187 : f32 to vector<8192x64xf32>
    %max3A_189 = arith.maximumf %add3A_186, %max3A_188 : vector<8192x64xf32>
    %get3A_190 = arith.constant 0 : index
    %get3A_191 = arith.constant 0 : index
    %get3A_192 = vector.load %arg20[%get3A_190, %get3A_191] : memref<64x128xbf16, #tpu.memory_space<vmem>>, vector<64x128xbf16>
    %get3A_193 = arith.constant 0 : index
    %get3A_194 = arith.constant 0 : index
    %get3A_195 = vector.load %arg21[%get3A_193, %get3A_194] : memref<64x128xbf16, #tpu.memory_space<vmem>>, vector<64x128xbf16>
    %convert_element_type3A_196 = arith.truncf %max3A_189 : vector<8192x64xf32> to vector<8192x64xbf16>
    %convert_element_type3A_197 = arith.extf %convert_element_type3A_196 : vector<8192x64xbf16> to vector<8192x64xf32>
    %sub3A_198 = arith.subf %max3A_189, %convert_element_type3A_197 : vector<8192x64xf32>
    %convert_element_type3A_199 = arith.truncf %sub3A_198 : vector<8192x64xf32> to vector<8192x64xbf16>
    %dot_general3A_200 = arith.constant dense<0.000000e+00> : vector<8192x128xf32>
    %dot_general3A_201 = tpu.matmul %convert_element_type3A_196, %get3A_192, %dot_general3A_200 {dimension_numbers = #tpu.dot_dimension_numbers<[1], [0], [0], [1], [0, 0, 1, 1], [], []>, transpose_lhs_hint = false} : vector<8192x64xbf16>, vector<64x128xbf16>, vector<8192x128xf32> -> vector<8192x128xf32>
    %dot_general3A_202 = arith.constant dense<0.000000e+00> : vector<8192x128xf32>
    %dot_general3A_203 = tpu.matmul %convert_element_type3A_196, %get3A_195, %dot_general3A_202 {dimension_numbers = #tpu.dot_dimension_numbers<[1], [0], [0], [1], [0, 0, 1, 1], [], []>, transpose_lhs_hint = false} : vector<8192x64xbf16>, vector<64x128xbf16>, vector<8192x128xf32> -> vector<8192x128xf32>
    %dot_general3A_204 = arith.constant dense<0.000000e+00> : vector<8192x128xf32>
    %dot_general3A_205 = tpu.matmul %convert_element_type3A_199, %get3A_192, %dot_general3A_204 {dimension_numbers = #tpu.dot_dimension_numbers<[1], [0], [0], [1], [0, 0, 1, 1], [], []>, transpose_lhs_hint = false} : vector<8192x64xbf16>, vector<64x128xbf16>, vector<8192x128xf32> -> vector<8192x128xf32>
    %add3A_206 = arith.addf %dot_general3A_203, %dot_general3A_205 : vector<8192x128xf32>
    %add3A_207 = arith.addf %dot_general3A_201, %add3A_206 : vector<8192x128xf32>
    %get3A_208 = arith.constant 0 : index
    %get3A_209 = arith.constant 0 : index
    %get3A_210 = vector.load %arg22[%get3A_208, %get3A_209] : memref<1x128xf32, #tpu.memory_space<vmem>>, vector<1x128xf32>
    %add3A_211 = vector.broadcast %get3A_210 : vector<1x128xf32> to vector<8192x128xf32>
    %add3A_212 = arith.addf %add3A_207, %add3A_211 : vector<8192x128xf32>
    %get3A_213 = arith.constant 0 : index
    %get3A_214 = arith.constant 0 : index
    %get3A_215 = vector.load %arg23[%get3A_213, %get3A_214] : memref<1x128xf32, #tpu.memory_space<vmem>>, vector<1x128xf32>
    %mul3A_216 = vector.broadcast %get3A_215 : vector<1x128xf32> to vector<8192x128xf32>
    %mul3A_217 = arith.mulf %mul3A_216, %add3A_212 : vector<8192x128xf32>
    %get3A_218 = arith.constant 0 : index
    %get3A_219 = arith.constant 0 : index
    %get3A_220 = vector.load %arg24[%get3A_218, %get3A_219] : memref<1x128xf32, #tpu.memory_space<vmem>>, vector<1x128xf32>
    %add3A_221 = vector.broadcast %get3A_220 : vector<1x128xf32> to vector<8192x128xf32>
    %add3A_222 = arith.addf %mul3A_217, %add3A_221 : vector<8192x128xf32>
    %max3A_223 = arith.constant 0.000000e+00 : f32
    %max3A_224 = vector.broadcast %max3A_223 : f32 to vector<8192x128xf32>
    %max3A_225 = arith.maximumf %add3A_222, %max3A_224 : vector<8192x128xf32>
    %reshape3A_226 = vector.shape_cast %max3A_225 : vector<8192x128xf32> to vector<256x32x128xf32>
    %reduce_max3A_227 = arith.constant dense<0xFF800000> : vector<256x128xf32>
    %reduce_max3A_228 = vector.multi_reduction <maximumf>, %reshape3A_226, %reduce_max3A_227 [1] : vector<256x32x128xf32> to vector<256x128xf32>
    %swap3A = arith.constant 0 : index
    %swap3A_229 = arith.constant 0 : index
    %swap3A_230 = arith.constant 0 : index
    %swap3A_231 = vector.load %arg25[%swap3A, %swap3A_229, %swap3A_230] : memref<1x256x128xf32, #tpu.memory_space<vmem>>, vector<1x256x128xf32>
    %swap3A_232 = vector.shape_cast %swap3A_231 : vector<1x256x128xf32> to vector<256x128xf32>
    %swap3A_233 = vector.shape_cast %reduce_max3A_228 : vector<256x128xf32> to vector<1x256x128xf32>
    tpu.vector_store %arg25[%swap3A, %swap3A_229, %swap3A_230], %swap3A_233 {strides = array<i32>} : memref<1x256x128xf32, #tpu.memory_space<vmem>>, vector<1x256x128xf32>,
    return
  }
  func.func @transform_0(%arg0: i32, %arg1: i32) -> (i32, i32, i32) {
    %c0_i32 = arith.constant 0 : i32
    %c0_i32_0 = arith.constant 0 : i32
    %c0_i32_1 = arith.constant 0 : i32
    return %arg0, %c0_i32, %c0_i32_0 : i32, i32, i32
  }
  func.func @transform_1(%arg0: i32, %arg1: i32) -> (i32, i32, i32) {
    %c0_i32 = arith.constant 0 : i32
    %c0_i32_0 = arith.constant 0 : i32
    %c0_i32_1 = arith.constant 0 : i32
    return %arg0, %c0_i32, %c0_i32_0 : i32, i32, i32
  }
  func.func @transform_2(%arg0: i32, %arg1: i32) -> (i32, i32, i32) {
    %c0_i32 = arith.constant 0 : i32
    %c0_i32_0 = arith.constant 0 : i32
    %c0_i32_1 = arith.constant 0 : i32
    return %arg0, %c0_i32, %c0_i32_0 : i32, i32, i32
  }
  func.func @transform_3(%arg0: i32, %arg1: i32) -> (i32, i32, i32) {
    %c0_i32 = arith.constant 0 : i32
    %c0_i32_0 = arith.constant 0 : i32
    %c0_i32_1 = arith.constant 0 : i32
    return %arg0, %c0_i32, %c0_i32_0 : i32, i32, i32
  }
  func.func @transform_4(%arg0: i32, %arg1: i32) -> (i32, i32, i32) {
    %c0_i32 = arith.constant 0 : i32
    %c0_i32_0 = arith.constant 0 : i32
    return %arg0, %arg1, %c0_i32 : i32, i32, i32
  }
  func.func @transform_5(%arg0: i32, %arg1: i32) -> (i32, i32, i32) {
    %c0_i32 = arith.constant 0 : i32
    %c0_i32_0 = arith.constant 0 : i32
    return %arg0, %arg1, %c0_i32 : i32, i32, i32
  }
  func.func @transform_6(%arg0: i32, %arg1: i32) -> (i32, i32, i32) {
    %c0_i32 = arith.constant 0 : i32
    %c0_i32_0 = arith.constant 0 : i32
    return %arg0, %arg1, %c0_i32 : i32, i32, i32
  }
  func.func @transform_7(%arg0: i32, %arg1: i32) -> (i32, i32) {
    %c0_i32 = arith.constant 0 : i32
    %c0_i32_0 = arith.constant 0 : i32
    %c0_i32_1 = arith.constant 0 : i32
    return %c0_i32, %c0_i32_0 : i32, i32
  }
  func.func @transform_8(%arg0: i32, %arg1: i32) -> (i32, i32) {
    %c0_i32 = arith.constant 0 : i32
    %c0_i32_0 = arith.constant 0 : i32
    %c0_i32_1 = arith.constant 0 : i32
    return %c0_i32, %c0_i32_0 : i32, i32
  }
  func.func @transform_9(%arg0: i32, %arg1: i32) -> (i32, i32) {
    %c0_i32 = arith.constant 0 : i32
    %c0_i32_0 = arith.constant 0 : i32
    %c0_i32_1 = arith.constant 0 : i32
    return %c0_i32, %c0_i32_0 : i32, i32
  }
  func.func @transform_10(%arg0: i32, %arg1: i32) -> (i32, i32) {
    %c0_i32 = arith.constant 0 : i32
    %c0_i32_0 = arith.constant 0 : i32
    %c0_i32_1 = arith.constant 0 : i32
    return %c0_i32, %c0_i32_0 : i32, i32
  }
  func.func @transform_11(%arg0: i32, %arg1: i32) -> (i32, i32) {
    %c0_i32 = arith.constant 0 : i32
    %c0_i32_0 = arith.constant 0 : i32
    %c0_i32_1 = arith.constant 0 : i32
    return %c0_i32, %c0_i32_0 : i32, i32
  }
  func.func @transform_12(%arg0: i32, %arg1: i32) -> (i32, i32) {
    %c0_i32 = arith.constant 0 : i32
    %c0_i32_0 = arith.constant 0 : i32
    %c0_i32_1 = arith.constant 0 : i32
    return %c0_i32, %c0_i32_0 : i32, i32
  }
  func.func @transform_13(%arg0: i32, %arg1: i32) -> (i32, i32) {
    %c0_i32 = arith.constant 0 : i32
    %c0_i32_0 = arith.constant 0 : i32
    %c0_i32_1 = arith.constant 0 : i32
    return %c0_i32, %c0_i32_0 : i32, i32
  }
  func.func @transform_14(%arg0: i32, %arg1: i32) -> (i32, i32) {
    %c0_i32 = arith.constant 0 : i32
    %c0_i32_0 = arith.constant 0 : i32
    %c0_i32_1 = arith.constant 0 : i32
    return %c0_i32, %c0_i32_0 : i32, i32
  }
  func.func @transform_15(%arg0: i32, %arg1: i32) -> (i32, i32) {
    %c0_i32 = arith.constant 0 : i32
    %c0_i32_0 = arith.constant 0 : i32
    %c0_i32_1 = arith.constant 0 : i32
    return %c0_i32, %c0_i32_0 : i32, i32
  }
  func.func @transform_16(%arg0: i32, %arg1: i32) -> (i32, i32) {
    %c0_i32 = arith.constant 0 : i32
    %c0_i32_0 = arith.constant 0 : i32
    %c0_i32_1 = arith.constant 0 : i32
    return %c0_i32, %c0_i32_0 : i32, i32
  }
  func.func @transform_17(%arg0: i32, %arg1: i32) -> (i32, i32) {
    %c0_i32 = arith.constant 0 : i32
    %c0_i32_0 = arith.constant 0 : i32
    %c0_i32_1 = arith.constant 0 : i32
    return %c0_i32, %c0_i32_0 : i32, i32
  }
  func.func @transform_18(%arg0: i32, %arg1: i32) -> (i32, i32) {
    %c0_i32 = arith.constant 0 : i32
    %c0_i32_0 = arith.constant 0 : i32
    %c0_i32_1 = arith.constant 0 : i32
    return %c0_i32, %c0_i32_0 : i32, i32
  }
  func.func @transform_19(%arg0: i32, %arg1: i32) -> (i32, i32) {
    %c0_i32 = arith.constant 0 : i32
    %c0_i32_0 = arith.constant 0 : i32
    %c0_i32_1 = arith.constant 0 : i32
    return %c0_i32, %c0_i32_0 : i32, i32
  }
  func.func @transform_20(%arg0: i32, %arg1: i32) -> (i32, i32) {
    %c0_i32 = arith.constant 0 : i32
    %c0_i32_0 = arith.constant 0 : i32
    %c0_i32_1 = arith.constant 0 : i32
    return %c0_i32, %c0_i32_0 : i32, i32
  }
  func.func @transform_21(%arg0: i32, %arg1: i32) -> (i32, i32) {
    %c0_i32 = arith.constant 0 : i32
    %c0_i32_0 = arith.constant 0 : i32
    %c0_i32_1 = arith.constant 0 : i32
    return %c0_i32, %c0_i32_0 : i32, i32
  }
  func.func @transform_22(%arg0: i32, %arg1: i32) -> (i32, i32) {
    %c0_i32 = arith.constant 0 : i32
    %c0_i32_0 = arith.constant 0 : i32
    %c0_i32_1 = arith.constant 0 : i32
    return %c0_i32, %c0_i32_0 : i32, i32
  }
  func.func @transform_23(%arg0: i32, %arg1: i32) -> (i32, i32, i32) {
    %c0_i32 = arith.constant 0 : i32
    %c0_i32_0 = arith.constant 0 : i32
    return %arg0, %arg1, %c0_i32 : i32, i32, i32
  }
}

module attributes {stable_mosaic.version = 14 : i64} {
  func.func @_ball_sa_body(%arg0: i32, %arg1: i32, %arg2: memref<1x512x387xbf16, #tpu.memory_space<vmem>>, %arg3: memref<1x1x512xf32, #tpu.memory_space<vmem>>, %arg4: memref<1x1x512xf32, #tpu.memory_space<vmem>>, %arg5: memref<1x1x512xf32, #tpu.memory_space<vmem>>, %arg6: memref<1x64x1xf32, #tpu.memory_space<vmem>>, %arg7: memref<1x64x1xf32, #tpu.memory_space<vmem>>, %arg8: memref<1x64x1xf32, #tpu.memory_space<vmem>>, %arg9: memref<512x512xbf16, #tpu.memory_space<vmem>>, %arg10: memref<131x128xbf16, #tpu.memory_space<vmem>>, %arg11: memref<131x128xbf16, #tpu.memory_space<vmem>>, %arg12: memref<1x128xf32, #tpu.memory_space<vmem>>, %arg13: memref<1x128xf32, #tpu.memory_space<vmem>>, %arg14: memref<1x128xf32, #tpu.memory_space<vmem>>, %arg15: memref<128x128xbf16, #tpu.memory_space<vmem>>, %arg16: memref<128x128xbf16, #tpu.memory_space<vmem>>, %arg17: memref<1x128xf32, #tpu.memory_space<vmem>>, %arg18: memref<1x128xf32, #tpu.memory_space<vmem>>, %arg19: memref<1x128xf32, #tpu.memory_space<vmem>>, %arg20: memref<128x256xbf16, #tpu.memory_space<vmem>>, %arg21: memref<128x256xbf16, #tpu.memory_space<vmem>>, %arg22: memref<1x256xf32, #tpu.memory_space<vmem>>, %arg23: memref<1x256xf32, #tpu.memory_space<vmem>>, %arg24: memref<1x256xf32, #tpu.memory_space<vmem>>, %arg25: memref<1x64x256xf32, #tpu.memory_space<vmem>>) attributes {dimension_semantics = [#tpu.dimension_semantics<arbitrary>, #tpu.dimension_semantics<arbitrary>], iteration_bounds = array<i64: 8, 2>, scalar_prefetch = 0 : i64, scratch_operands = 0 : i64, tpu.core_type = #tpu.core_type<tc>, window_params = [{transform_indices = @transform_0, window_bounds = array<i64: 1, 512, 387>}, {transform_indices = @transform_1, window_bounds = array<i64: 1, 1, 512>}, {transform_indices = @transform_2, window_bounds = array<i64: 1, 1, 512>}, {transform_indices = @transform_3, window_bounds = array<i64: 1, 1, 512>}, {transform_indices = @transform_4, window_bounds = array<i64: 1, 64, 1>}, {transform_indices = @transform_5, window_bounds = array<i64: 1, 64, 1>}, {transform_indices = @transform_6, window_bounds = array<i64: 1, 64, 1>}, {pipeline_mode = #tpu.pipeline_mode<synchronous>, transform_indices = @transform_7, window_bounds = array<i64: 512, 512>}, {pipeline_mode = #tpu.pipeline_mode<synchronous>, transform_indices = @transform_8, window_bounds = array<i64: 131, 128>}, {pipeline_mode = #tpu.pipeline_mode<synchronous>, transform_indices = @transform_9, window_bounds = array<i64: 131, 128>}, {pipeline_mode = #tpu.pipeline_mode<synchronous>, transform_indices = @transform_10, window_bounds = array<i64: 1, 128>}, {pipeline_mode = #tpu.pipeline_mode<synchronous>, transform_indices = @transform_11, window_bounds = array<i64: 1, 128>}, {pipeline_mode = #tpu.pipeline_mode<synchronous>, transform_indices = @transform_12, window_bounds = array<i64: 1, 128>}, {pipeline_mode = #tpu.pipeline_mode<synchronous>, transform_indices = @transform_13, window_bounds = array<i64: 128, 128>}, {pipeline_mode = #tpu.pipeline_mode<synchronous>, transform_indices = @transform_14, window_bounds = array<i64: 128, 128>}, {pipeline_mode = #tpu.pipeline_mode<synchronous>, transform_indices = @transform_15, window_bounds = array<i64: 1, 128>}, {pipeline_mode = #tpu.pipeline_mode<synchronous>, transform_indices = @transform_16, window_bounds = array<i64: 1, 128>}, {pipeline_mode = #tpu.pipeline_mode<synchronous>, transform_indices = @transform_17, window_bounds = array<i64: 1, 128>}, {pipeline_mode = #tpu.pipeline_mode<synchronous>, transform_indices = @transform_18, window_bounds = array<i64: 128, 256>}, {pipeline_mode = #tpu.pipeline_mode<synchronous>, transform_indices = @transform_19, window_bounds = array<i64: 128, 256>}, {pipeline_mode = #tpu.pipeline_mode<synchronous>, transform_indices = @transform_20, window_bounds = array<i64: 1, 256>}, {pipeline_mode = #tpu.pipeline_mode<synchronous>, transform_indices = @transform_21, window_bounds = array<i64: 1, 256>}, {pipeline_mode = #tpu.pipeline_mode<synchronous>, transform_indices = @transform_22, window_bounds = array<i64: 1, 256>}, {transform_indices = @transform_23, window_bounds = array<i64: 1, 64, 256>}]} {
    %get3A = arith.constant 0 : index
    %get3A_0 = arith.constant 0 : index
    %get3A_1 = arith.constant 0 : index
    %get3A_2 = vector.load %arg3[%get3A, %get3A_0, %get3A_1] : memref<1x1x512xf32, #tpu.memory_space<vmem>>, vector<1x1x512xf32>
    %get3A_3 = vector.shape_cast %get3A_2 : vector<1x1x512xf32> to vector<1x512xf32>
    %get3A_4 = arith.constant 0 : index
    %get3A_5 = arith.constant 0 : index
    %get3A_6 = arith.constant 0 : index
    %get3A_7 = vector.load %arg4[%get3A_4, %get3A_5, %get3A_6] : memref<1x1x512xf32, #tpu.memory_space<vmem>>, vector<1x1x512xf32>
    %get3A_8 = vector.shape_cast %get3A_7 : vector<1x1x512xf32> to vector<1x512xf32>
    %get3A_9 = arith.constant 0 : index
    %get3A_10 = arith.constant 0 : index
    %get3A_11 = arith.constant 0 : index
    %get3A_12 = vector.load %arg5[%get3A_9, %get3A_10, %get3A_11] : memref<1x1x512xf32, #tpu.memory_space<vmem>>, vector<1x1x512xf32>
    %get3A_13 = vector.shape_cast %get3A_12 : vector<1x1x512xf32> to vector<1x512xf32>
    %get3A_14 = arith.constant 0 : index
    %get3A_15 = arith.constant 0 : index
    %get3A_16 = arith.constant 0 : index
    %get3A_17 = vector.load %arg6[%get3A_14, %get3A_15, %get3A_16] : memref<1x64x1xf32, #tpu.memory_space<vmem>>, vector<1x64x1xf32>
    %get3A_18 = vector.shape_cast %get3A_17 : vector<1x64x1xf32> to vector<64x1xf32>
    %get3A_19 = arith.constant 0 : index
    %get3A_20 = arith.constant 0 : index
    %get3A_21 = arith.constant 0 : index
    %get3A_22 = vector.load %arg7[%get3A_19, %get3A_20, %get3A_21] : memref<1x64x1xf32, #tpu.memory_space<vmem>>, vector<1x64x1xf32>
    %get3A_23 = vector.shape_cast %get3A_22 : vector<1x64x1xf32> to vector<64x1xf32>
    %get3A_24 = arith.constant 0 : index
    %get3A_25 = arith.constant 0 : index
    %get3A_26 = arith.constant 0 : index
    %get3A_27 = vector.load %arg8[%get3A_24, %get3A_25, %get3A_26] : memref<1x64x1xf32, #tpu.memory_space<vmem>>, vector<1x64x1xf32>
    %get3A_28 = vector.shape_cast %get3A_27 : vector<1x64x1xf32> to vector<64x1xf32>
    %mul3A = arith.mulf %get3A_3, %get3A_3 : vector<1x512xf32>
    %mul3A_29 = arith.mulf %get3A_8, %get3A_8 : vector<1x512xf32>
    %add3A = arith.addf %mul3A, %mul3A_29 : vector<1x512xf32>
    %mul3A_30 = arith.mulf %get3A_13, %get3A_13 : vector<1x512xf32>
    %add3A_31 = arith.addf %add3A, %mul3A_30 : vector<1x512xf32>
    %mul3A_32 = arith.mulf %get3A_18, %get3A_18 : vector<64x1xf32>
    %mul3A_33 = arith.mulf %get3A_23, %get3A_23 : vector<64x1xf32>
    %add3A_34 = arith.addf %mul3A_32, %mul3A_33 : vector<64x1xf32>
    %mul3A_35 = arith.mulf %get3A_28, %get3A_28 : vector<64x1xf32>
    %add3A_36 = arith.addf %add3A_34, %mul3A_35 : vector<64x1xf32>
    %mul3A_37 = vector.broadcast %get3A_18 : vector<64x1xf32> to vector<64x512xf32>
    %mul3A_38 = vector.broadcast %get3A_3 : vector<1x512xf32> to vector<64x512xf32>
    %mul3A_39 = arith.mulf %mul3A_37, %mul3A_38 : vector<64x512xf32>
    %mul3A_40 = vector.broadcast %get3A_23 : vector<64x1xf32> to vector<64x512xf32>
    %mul3A_41 = vector.broadcast %get3A_8 : vector<1x512xf32> to vector<64x512xf32>
    %mul3A_42 = arith.mulf %mul3A_40, %mul3A_41 : vector<64x512xf32>
    %add3A_43 = arith.addf %mul3A_39, %mul3A_42 : vector<64x512xf32>
    %mul3A_44 = vector.broadcast %get3A_28 : vector<64x1xf32> to vector<64x512xf32>
    %mul3A_45 = vector.broadcast %get3A_13 : vector<1x512xf32> to vector<64x512xf32>
    %mul3A_46 = arith.mulf %mul3A_44, %mul3A_45 : vector<64x512xf32>
    %add3A_47 = arith.addf %add3A_43, %mul3A_46 : vector<64x512xf32>
    %add3A_48 = vector.broadcast %add3A_36 : vector<64x1xf32> to vector<64x512xf32>
    %add3A_49 = vector.broadcast %add3A_31 : vector<1x512xf32> to vector<64x512xf32>
    %add3A_50 = arith.addf %add3A_48, %add3A_49 : vector<64x512xf32>
    %mul3A_51 = arith.constant 2.000000e+00 : f32
    %mul3A_52 = vector.broadcast %mul3A_51 : f32 to vector<64x512xf32>
    %mul3A_53 = arith.mulf %mul3A_52, %add3A_47 : vector<64x512xf32>
    %sub3A = arith.subf %add3A_50, %mul3A_53 : vector<64x512xf32>
    %le3A = arith.constant 1.600000e-01 : f32
    %le3A_54 = vector.broadcast %le3A : f32 to vector<64x512xf32>
    %le3A_55 = arith.cmpf ole, %sub3A, %le3A_54 : vector<64x512xf32>
    %convert_element_type3A = arith.extui %le3A_55 : vector<64x512xi1> to vector<64x512xi32>
    %convert_element_type3A_56 = arith.sitofp %convert_element_type3A : vector<64x512xi32> to vector<64x512xf32>
    %convert_element_type3A_57 = arith.truncf %convert_element_type3A_56 : vector<64x512xf32> to vector<64x512xbf16>
    %get3A_58 = arith.constant 0 : index
    %get3A_59 = arith.constant 0 : index
    %get3A_60 = vector.load %arg9[%get3A_58, %get3A_59] : memref<512x512xbf16, #tpu.memory_space<vmem>>, vector<512x512xbf16>
    %dot_general3A = arith.constant dense<0.000000e+00> : vector<64x512xf32>
    %dot_general3A_61 = tpu.matmul %convert_element_type3A_57, %get3A_60, %dot_general3A {dimension_numbers = #tpu.dot_dimension_numbers<[1], [0], [0], [1], [0, 0, 1, 1], [], []>, transpose_lhs_hint = false} : vector<64x512xbf16>, vector<512x512xbf16>, vector<64x512xf32> -> vector<64x512xf32>
    %convert_element_type3A_62 = arith.extf %convert_element_type3A_57 : vector<64x512xbf16> to vector<64x512xf32>
    %mul3A_63 = arith.mulf %dot_general3A_61, %convert_element_type3A_62 : vector<64x512xf32>
    %convert_element_type3A_64 = arith.truncf %mul3A_63 : vector<64x512xf32> to vector<64x512xbf16>
    %reduce_max3A = arith.constant dense<0xFF800000> : vector<64xf32>
    %reduce_max3A_65 = vector.multi_reduction <maximumf>, %dot_general3A_61, %reduce_max3A [1] : vector<64x512xf32> to vector<64xf32>
    %broadcast_in_dim3A = vector.shape_cast %reduce_max3A_65 : vector<64xf32> to vector<64x1xf32>
    %broadcast_in_dim3A_66 = vector.shape_cast %broadcast_in_dim3A : vector<64x1xf32> to vector<64x1x1xf32>
    %iota3A = tpu.iota {dimensions = array<i32: 1>} : vector<64x64x1xi32>
    %convert_element_type3A_67 = arith.sitofp %iota3A : vector<64x64x1xi32> to vector<64x64x1xf32>
    %lt3A = vector.broadcast %broadcast_in_dim3A_66 : vector<64x1x1xf32> to vector<64x64x1xf32>
    %lt3A_68 = arith.cmpf olt, %convert_element_type3A_67, %lt3A : vector<64x64x1xf32>
    %add3A_69 = arith.constant 1.000000e+00 : f32
    %add3A_70 = vector.broadcast %add3A_69 : f32 to vector<64x64x1xf32>
    %add3A_71 = arith.addf %convert_element_type3A_67, %add3A_70 : vector<64x64x1xf32>
    %jit3A = arith.constant 1.000000e+00 : f32
    %broadcast_in_dim3A_72 = vector.broadcast %jit3A : f32 to vector<64x64x1xf32>
    %select_n3A = arith.select %lt3A_68, %add3A_71, %broadcast_in_dim3A_72 : vector<64x64x1xi1>, vector<64x64x1xf32>
    %convert_element_type3A_73 = arith.truncf %select_n3A : vector<64x64x1xf32> to vector<64x64x1xbf16>
    %broadcast_in_dim3A_74 = vector.shape_cast %convert_element_type3A_64 : vector<64x512xbf16> to vector<64x1x512xbf16>
    %broadcast_in_dim3A_75 = vector.shape_cast %broadcast_in_dim3A_74 : vector<64x1x512xbf16> to vector<64x1x512xbf16>
    %broadcast_in_dim3A_76 = vector.broadcast %broadcast_in_dim3A_75 : vector<64x1x512xbf16> to vector<64x64x512xbf16>
    %eq3A = vector.broadcast %convert_element_type3A_73 : vector<64x64x1xbf16> to vector<64x64x512xbf16>
    %eq3A_77 = arith.cmpf oeq, %broadcast_in_dim3A_76, %eq3A : vector<64x64x512xbf16>
    %convert_element_type3A_78 = arith.extui %eq3A_77 : vector<64x64x512xi1> to vector<64x64x512xi32>
    %convert_element_type3A_79 = arith.sitofp %convert_element_type3A_78 : vector<64x64x512xi32> to vector<64x64x512xf32>
    %convert_element_type3A_80 = arith.truncf %convert_element_type3A_79 : vector<64x64x512xf32> to vector<64x64x512xbf16>
    %reshape3A = vector.shape_cast %convert_element_type3A_80 : vector<64x64x512xbf16> to vector<4096x512xbf16>
    %get3A_81 = arith.constant 0 : index
    %get3A_82 = arith.constant 0 : index
    %get3A_83 = arith.constant 0 : index
    %get3A_84 = vector.load %arg2[%get3A_81, %get3A_82, %get3A_83] : memref<1x512x387xbf16, #tpu.memory_space<vmem>>, vector<1x512x387xbf16>
    %get3A_85 = vector.shape_cast %get3A_84 : vector<1x512x387xbf16> to vector<512x387xbf16>
    %dot_general3A_86 = arith.constant dense<0.000000e+00> : vector<4096x387xf32>
    %dot_general3A_87 = tpu.matmul %reshape3A, %get3A_85, %dot_general3A_86 {dimension_numbers = #tpu.dot_dimension_numbers<[1], [0], [0], [1], [0, 0, 1, 1], [], []>, transpose_lhs_hint = false} : vector<4096x512xbf16>, vector<512x387xbf16>, vector<4096x387xf32> -> vector<4096x387xf32>
    %slice3A = vector.extract_strided_slice %dot_general3A_87 {offsets = [0, 0], sizes = [4096, 131], strides = [1, 1]} : vector<4096x387xf32> to vector<4096x131xf32>
    %slice3A_88 = vector.extract_strided_slice %dot_general3A_87 {offsets = [0, 256], sizes = [4096, 131], strides = [1, 1]} : vector<4096x387xf32> to vector<4096x131xf32>
    %add3A_89 = arith.addf %slice3A, %slice3A_88 : vector<4096x131xf32>
    %iota3A_90 = tpu.iota {dimensions = array<i32: 1>} : vector<64x131xi32>
    %eq3A_91 = arith.constant 0 : i32
    %eq3A_92 = vector.broadcast %eq3A_91 : i32 to vector<64x131xi32>
    %eq3A_93 = arith.cmpi eq, %iota3A_90, %eq3A_92 : vector<64x131xi32>
    %convert_element_type3A_94 = arith.extui %eq3A_93 : vector<64x131xi1> to vector<64x131xi32>
    %convert_element_type3A_95 = arith.sitofp %convert_element_type3A_94 : vector<64x131xi32> to vector<64x131xf32>
    %mul3A_96 = vector.broadcast %get3A_18 : vector<64x1xf32> to vector<64x131xf32>
    %mul3A_97 = arith.mulf %mul3A_96, %convert_element_type3A_95 : vector<64x131xf32>
    %eq3A_98 = arith.constant 1 : i32
    %eq3A_99 = vector.broadcast %eq3A_98 : i32 to vector<64x131xi32>
    %eq3A_100 = arith.cmpi eq, %iota3A_90, %eq3A_99 : vector<64x131xi32>
    %convert_element_type3A_101 = arith.extui %eq3A_100 : vector<64x131xi1> to vector<64x131xi32>
    %convert_element_type3A_102 = arith.sitofp %convert_element_type3A_101 : vector<64x131xi32> to vector<64x131xf32>
    %mul3A_103 = vector.broadcast %get3A_23 : vector<64x1xf32> to vector<64x131xf32>
    %mul3A_104 = arith.mulf %mul3A_103, %convert_element_type3A_102 : vector<64x131xf32>
    %add3A_105 = arith.addf %mul3A_97, %mul3A_104 : vector<64x131xf32>
    %eq3A_106 = arith.constant 2 : i32
    %eq3A_107 = vector.broadcast %eq3A_106 : i32 to vector<64x131xi32>
    %eq3A_108 = arith.cmpi eq, %iota3A_90, %eq3A_107 : vector<64x131xi32>
    %convert_element_type3A_109 = arith.extui %eq3A_108 : vector<64x131xi1> to vector<64x131xi32>
    %convert_element_type3A_110 = arith.sitofp %convert_element_type3A_109 : vector<64x131xi32> to vector<64x131xf32>
    %mul3A_111 = vector.broadcast %get3A_28 : vector<64x1xf32> to vector<64x131xf32>
    %mul3A_112 = arith.mulf %mul3A_111, %convert_element_type3A_110 : vector<64x131xf32>
    %add3A_113 = arith.addf %add3A_105, %mul3A_112 : vector<64x131xf32>
    %broadcast_in_dim3A_114 = vector.shape_cast %add3A_113 : vector<64x131xf32> to vector<64x1x131xf32>
    %broadcast_in_dim3A_115 = vector.shape_cast %broadcast_in_dim3A_114 : vector<64x1x131xf32> to vector<64x1x131xf32>
    %broadcast_in_dim3A_116 = vector.broadcast %broadcast_in_dim3A_115 : vector<64x1x131xf32> to vector<64x64x131xf32>
    %reshape3A_117 = vector.shape_cast %broadcast_in_dim3A_116 : vector<64x64x131xf32> to vector<4096x131xf32>
    %sub3A_118 = arith.subf %add3A_89, %reshape3A_117 : vector<4096x131xf32>
    %get3A_119 = arith.constant 0 : index
    %get3A_120 = arith.constant 0 : index
    %get3A_121 = vector.load %arg10[%get3A_119, %get3A_120] : memref<131x128xbf16, #tpu.memory_space<vmem>>, vector<131x128xbf16>
    %get3A_122 = arith.constant 0 : index
    %get3A_123 = arith.constant 0 : index
    %get3A_124 = vector.load %arg11[%get3A_122, %get3A_123] : memref<131x128xbf16, #tpu.memory_space<vmem>>, vector<131x128xbf16>
    %convert_element_type3A_125 = arith.truncf %sub3A_118 : vector<4096x131xf32> to vector<4096x131xbf16>
    %convert_element_type3A_126 = arith.extf %convert_element_type3A_125 : vector<4096x131xbf16> to vector<4096x131xf32>
    %sub3A_127 = arith.subf %sub3A_118, %convert_element_type3A_126 : vector<4096x131xf32>
    %convert_element_type3A_128 = arith.truncf %sub3A_127 : vector<4096x131xf32> to vector<4096x131xbf16>
    %dot_general3A_129 = arith.constant dense<0.000000e+00> : vector<4096x128xf32>
    %dot_general3A_130 = tpu.matmul %convert_element_type3A_125, %get3A_121, %dot_general3A_129 {dimension_numbers = #tpu.dot_dimension_numbers<[1], [0], [0], [1], [0, 0, 1, 1], [], []>, transpose_lhs_hint = false} : vector<4096x131xbf16>, vector<131x128xbf16>, vector<4096x128xf32> -> vector<4096x128xf32>
    %dot_general3A_131 = arith.constant dense<0.000000e+00> : vector<4096x128xf32>
    %dot_general3A_132 = tpu.matmul %convert_element_type3A_125, %get3A_124, %dot_general3A_131 {dimension_numbers = #tpu.dot_dimension_numbers<[1], [0], [0], [1], [0, 0, 1, 1], [], []>, transpose_lhs_hint = false} : vector<4096x131xbf16>, vector<131x128xbf16>, vector<4096x128xf32> -> vector<4096x128xf32>
    %dot_general3A_133 = arith.constant dense<0.000000e+00> : vector<4096x128xf32>
    %dot_general3A_134 = tpu.matmul %convert_element_type3A_128, %get3A_121, %dot_general3A_133 {dimension_numbers = #tpu.dot_dimension_numbers<[1], [0], [0], [1], [0, 0, 1, 1], [], []>, transpose_lhs_hint = false} : vector<4096x131xbf16>, vector<131x128xbf16>, vector<4096x128xf32> -> vector<4096x128xf32>
    %add3A_135 = arith.addf %dot_general3A_132, %dot_general3A_134 : vector<4096x128xf32>
    %add3A_136 = arith.addf %dot_general3A_130, %add3A_135 : vector<4096x128xf32>
    %get3A_137 = arith.constant 0 : index
    %get3A_138 = arith.constant 0 : index
    %get3A_139 = vector.load %arg12[%get3A_137, %get3A_138] : memref<1x128xf32, #tpu.memory_space<vmem>>, vector<1x128xf32>
    %add3A_140 = vector.broadcast %get3A_139 : vector<1x128xf32> to vector<4096x128xf32>
    %add3A_141 = arith.addf %add3A_136, %add3A_140 : vector<4096x128xf32>
    %get3A_142 = arith.constant 0 : index
    %get3A_143 = arith.constant 0 : index
    %get3A_144 = vector.load %arg13[%get3A_142, %get3A_143] : memref<1x128xf32, #tpu.memory_space<vmem>>, vector<1x128xf32>
    %mul3A_145 = vector.broadcast %get3A_144 : vector<1x128xf32> to vector<4096x128xf32>
    %mul3A_146 = arith.mulf %mul3A_145, %add3A_141 : vector<4096x128xf32>
    %get3A_147 = arith.constant 0 : index
    %get3A_148 = arith.constant 0 : index
    %get3A_149 = vector.load %arg14[%get3A_147, %get3A_148] : memref<1x128xf32, #tpu.memory_space<vmem>>, vector<1x128xf32>
    %add3A_150 = vector.broadcast %get3A_149 : vector<1x128xf32> to vector<4096x128xf32>
    %add3A_151 = arith.addf %mul3A_146, %add3A_150 : vector<4096x128xf32>
    %max3A = arith.constant 0.000000e+00 : f32
    %max3A_152 = vector.broadcast %max3A : f32 to vector<4096x128xf32>
    %max3A_153 = arith.maximumf %add3A_151, %max3A_152 : vector<4096x128xf32>
    %get3A_154 = arith.constant 0 : index
    %get3A_155 = arith.constant 0 : index
    %get3A_156 = vector.load %arg15[%get3A_154, %get3A_155] : memref<128x128xbf16, #tpu.memory_space<vmem>>, vector<128x128xbf16>
    %get3A_157 = arith.constant 0 : index
    %get3A_158 = arith.constant 0 : index
    %get3A_159 = vector.load %arg16[%get3A_157, %get3A_158] : memref<128x128xbf16, #tpu.memory_space<vmem>>, vector<128x128xbf16>
    %convert_element_type3A_160 = arith.truncf %max3A_153 : vector<4096x128xf32> to vector<4096x128xbf16>
    %convert_element_type3A_161 = arith.extf %convert_element_type3A_160 : vector<4096x128xbf16> to vector<4096x128xf32>
    %sub3A_162 = arith.subf %max3A_153, %convert_element_type3A_161 : vector<4096x128xf32>
    %convert_element_type3A_163 = arith.truncf %sub3A_162 : vector<4096x128xf32> to vector<4096x128xbf16>
    %dot_general3A_164 = arith.constant dense<0.000000e+00> : vector<4096x128xf32>
    %dot_general3A_165 = tpu.matmul %convert_element_type3A_160, %get3A_156, %dot_general3A_164 {dimension_numbers = #tpu.dot_dimension_numbers<[1], [0], [0], [1], [0, 0, 1, 1], [], []>, transpose_lhs_hint = false} : vector<4096x128xbf16>, vector<128x128xbf16>, vector<4096x128xf32> -> vector<4096x128xf32>
    %dot_general3A_166 = arith.constant dense<0.000000e+00> : vector<4096x128xf32>
    %dot_general3A_167 = tpu.matmul %convert_element_type3A_160, %get3A_159, %dot_general3A_166 {dimension_numbers = #tpu.dot_dimension_numbers<[1], [0], [0], [1], [0, 0, 1, 1], [], []>, transpose_lhs_hint = false} : vector<4096x128xbf16>, vector<128x128xbf16>, vector<4096x128xf32> -> vector<4096x128xf32>
    %dot_general3A_168 = arith.constant dense<0.000000e+00> : vector<4096x128xf32>
    %dot_general3A_169 = tpu.matmul %convert_element_type3A_163, %get3A_156, %dot_general3A_168 {dimension_numbers = #tpu.dot_dimension_numbers<[1], [0], [0], [1], [0, 0, 1, 1], [], []>, transpose_lhs_hint = false} : vector<4096x128xbf16>, vector<128x128xbf16>, vector<4096x128xf32> -> vector<4096x128xf32>
    %add3A_170 = arith.addf %dot_general3A_167, %dot_general3A_169 : vector<4096x128xf32>
    %add3A_171 = arith.addf %dot_general3A_165, %add3A_170 : vector<4096x128xf32>
    %get3A_172 = arith.constant 0 : index
    %get3A_173 = arith.constant 0 : index
    %get3A_174 = vector.load %arg17[%get3A_172, %get3A_173] : memref<1x128xf32, #tpu.memory_space<vmem>>, vector<1x128xf32>
    %add3A_175 = vector.broadcast %get3A_174 : vector<1x128xf32> to vector<4096x128xf32>
    %add3A_176 = arith.addf %add3A_171, %add3A_175 : vector<4096x128xf32>
    %get3A_177 = arith.constant 0 : index
    %get3A_178 = arith.constant 0 : index
    %get3A_179 = vector.load %arg18[%get3A_177, %get3A_178] : memref<1x128xf32, #tpu.memory_space<vmem>>, vector<1x128xf32>
    %mul3A_180 = vector.broadcast %get3A_179 : vector<1x128xf32> to vector<4096x128xf32>
    %mul3A_181 = arith.mulf %mul3A_180, %add3A_176 : vector<4096x128xf32>
    %get3A_182 = arith.constant 0 : index
    %get3A_183 = arith.constant 0 : index
    %get3A_184 = vector.load %arg19[%get3A_182, %get3A_183] : memref<1x128xf32, #tpu.memory_space<vmem>>, vector<1x128xf32>
    %add3A_185 = vector.broadcast %get3A_184 : vector<1x128xf32> to vector<4096x128xf32>
    %add3A_186 = arith.addf %mul3A_181, %add3A_185 : vector<4096x128xf32>
    %max3A_187 = arith.constant 0.000000e+00 : f32
    %max3A_188 = vector.broadcast %max3A_187 : f32 to vector<4096x128xf32>
    %max3A_189 = arith.maximumf %add3A_186, %max3A_188 : vector<4096x128xf32>
    %get3A_190 = arith.constant 0 : index
    %get3A_191 = arith.constant 0 : index
    %get3A_192 = vector.load %arg20[%get3A_190, %get3A_191] : memref<128x256xbf16, #tpu.memory_space<vmem>>, vector<128x256xbf16>
    %get3A_193 = arith.constant 0 : index
    %get3A_194 = arith.constant 0 : index
    %get3A_195 = vector.load %arg21[%get3A_193, %get3A_194] : memref<128x256xbf16, #tpu.memory_space<vmem>>, vector<128x256xbf16>
    %convert_element_type3A_196 = arith.truncf %max3A_189 : vector<4096x128xf32> to vector<4096x128xbf16>
    %convert_element_type3A_197 = arith.extf %convert_element_type3A_196 : vector<4096x128xbf16> to vector<4096x128xf32>
    %sub3A_198 = arith.subf %max3A_189, %convert_element_type3A_197 : vector<4096x128xf32>
    %convert_element_type3A_199 = arith.truncf %sub3A_198 : vector<4096x128xf32> to vector<4096x128xbf16>
    %dot_general3A_200 = arith.constant dense<0.000000e+00> : vector<4096x256xf32>
    %dot_general3A_201 = tpu.matmul %convert_element_type3A_196, %get3A_192, %dot_general3A_200 {dimension_numbers = #tpu.dot_dimension_numbers<[1], [0], [0], [1], [0, 0, 1, 1], [], []>, transpose_lhs_hint = false} : vector<4096x128xbf16>, vector<128x256xbf16>, vector<4096x256xf32> -> vector<4096x256xf32>
    %dot_general3A_202 = arith.constant dense<0.000000e+00> : vector<4096x256xf32>
    %dot_general3A_203 = tpu.matmul %convert_element_type3A_196, %get3A_195, %dot_general3A_202 {dimension_numbers = #tpu.dot_dimension_numbers<[1], [0], [0], [1], [0, 0, 1, 1], [], []>, transpose_lhs_hint = false} : vector<4096x128xbf16>, vector<128x256xbf16>, vector<4096x256xf32> -> vector<4096x256xf32>
    %dot_general3A_204 = arith.constant dense<0.000000e+00> : vector<4096x256xf32>
    %dot_general3A_205 = tpu.matmul %convert_element_type3A_199, %get3A_192, %dot_general3A_204 {dimension_numbers = #tpu.dot_dimension_numbers<[1], [0], [0], [1], [0, 0, 1, 1], [], []>, transpose_lhs_hint = false} : vector<4096x128xbf16>, vector<128x256xbf16>, vector<4096x256xf32> -> vector<4096x256xf32>
    %add3A_206 = arith.addf %dot_general3A_203, %dot_general3A_205 : vector<4096x256xf32>
    %add3A_207 = arith.addf %dot_general3A_201, %add3A_206 : vector<4096x256xf32>
    %get3A_208 = arith.constant 0 : index
    %get3A_209 = arith.constant 0 : index
    %get3A_210 = vector.load %arg22[%get3A_208, %get3A_209] : memref<1x256xf32, #tpu.memory_space<vmem>>, vector<1x256xf32>
    %add3A_211 = vector.broadcast %get3A_210 : vector<1x256xf32> to vector<4096x256xf32>
    %add3A_212 = arith.addf %add3A_207, %add3A_211 : vector<4096x256xf32>
    %get3A_213 = arith.constant 0 : index
    %get3A_214 = arith.constant 0 : index
    %get3A_215 = vector.load %arg23[%get3A_213, %get3A_214] : memref<1x256xf32, #tpu.memory_space<vmem>>, vector<1x256xf32>
    %mul3A_216 = vector.broadcast %get3A_215 : vector<1x256xf32> to vector<4096x256xf32>
    %mul3A_217 = arith.mulf %mul3A_216, %add3A_212 : vector<4096x256xf32>
    %get3A_218 = arith.constant 0 : index
    %get3A_219 = arith.constant 0 : index
    %get3A_220 = vector.load %arg24[%get3A_218, %get3A_219] : memref<1x256xf32, #tpu.memory_space<vmem>>, vector<1x256xf32>
    %add3A_221 = vector.broadcast %get3A_220 : vector<1x256xf32> to vector<4096x256xf32>
    %add3A_222 = arith.addf %mul3A_217, %add3A_221 : vector<4096x256xf32>
    %max3A_223 = arith.constant 0.000000e+00 : f32
    %max3A_224 = vector.broadcast %max3A_223 : f32 to vector<4096x256xf32>
    %max3A_225 = arith.maximumf %add3A_222, %max3A_224 : vector<4096x256xf32>
    %reshape3A_226 = vector.shape_cast %max3A_225 : vector<4096x256xf32> to vector<64x64x256xf32>
    %reduce_max3A_227 = arith.constant dense<0xFF800000> : vector<64x256xf32>
    %reduce_max3A_228 = vector.multi_reduction <maximumf>, %reshape3A_226, %reduce_max3A_227 [1] : vector<64x64x256xf32> to vector<64x256xf32>
    %swap3A = arith.constant 0 : index
    %swap3A_229 = arith.constant 0 : index
    %swap3A_230 = arith.constant 0 : index
    %swap3A_231 = vector.load %arg25[%swap3A, %swap3A_229, %swap3A_230] : memref<1x64x256xf32, #tpu.memory_space<vmem>>, vector<1x64x256xf32>
    %swap3A_232 = vector.shape_cast %swap3A_231 : vector<1x64x256xf32> to vector<64x256xf32>
    %swap3A_233 = vector.shape_cast %reduce_max3A_228 : vector<64x256xf32> to vector<1x64x256xf32>
    tpu.vector_store %arg25[%swap3A, %swap3A_229, %swap3A_230], %swap3A_233 {strides = array<i32>} : memref<1x64x256xf32, #tpu.memory_space<vmem>>, vector<1x64x256xf32>,
    return
  }
  func.func @transform_0(%arg0: i32, %arg1: i32) -> (i32, i32, i32) {
    %c0_i32 = arith.constant 0 : i32
    %c0_i32_0 = arith.constant 0 : i32
    %c0_i32_1 = arith.constant 0 : i32
    return %arg0, %c0_i32, %c0_i32_0 : i32, i32, i32
  }
  func.func @transform_1(%arg0: i32, %arg1: i32) -> (i32, i32, i32) {
    %c0_i32 = arith.constant 0 : i32
    %c0_i32_0 = arith.constant 0 : i32
    %c0_i32_1 = arith.constant 0 : i32
    return %arg0, %c0_i32, %c0_i32_0 : i32, i32, i32
  }
  func.func @transform_2(%arg0: i32, %arg1: i32) -> (i32, i32, i32) {
    %c0_i32 = arith.constant 0 : i32
    %c0_i32_0 = arith.constant 0 : i32
    %c0_i32_1 = arith.constant 0 : i32
    return %arg0, %c0_i32, %c0_i32_0 : i32, i32, i32
  }
  func.func @transform_3(%arg0: i32, %arg1: i32) -> (i32, i32, i32) {
    %c0_i32 = arith.constant 0 : i32
    %c0_i32_0 = arith.constant 0 : i32
    %c0_i32_1 = arith.constant 0 : i32
    return %arg0, %c0_i32, %c0_i32_0 : i32, i32, i32
  }
  func.func @transform_4(%arg0: i32, %arg1: i32) -> (i32, i32, i32) {
    %c0_i32 = arith.constant 0 : i32
    %c0_i32_0 = arith.constant 0 : i32
    return %arg0, %arg1, %c0_i32 : i32, i32, i32
  }
  func.func @transform_5(%arg0: i32, %arg1: i32) -> (i32, i32, i32) {
    %c0_i32 = arith.constant 0 : i32
    %c0_i32_0 = arith.constant 0 : i32
    return %arg0, %arg1, %c0_i32 : i32, i32, i32
  }
  func.func @transform_6(%arg0: i32, %arg1: i32) -> (i32, i32, i32) {
    %c0_i32 = arith.constant 0 : i32
    %c0_i32_0 = arith.constant 0 : i32
    return %arg0, %arg1, %c0_i32 : i32, i32, i32
  }
  func.func @transform_7(%arg0: i32, %arg1: i32) -> (i32, i32) {
    %c0_i32 = arith.constant 0 : i32
    %c0_i32_0 = arith.constant 0 : i32
    %c0_i32_1 = arith.constant 0 : i32
    return %c0_i32, %c0_i32_0 : i32, i32
  }
  func.func @transform_8(%arg0: i32, %arg1: i32) -> (i32, i32) {
    %c0_i32 = arith.constant 0 : i32
    %c0_i32_0 = arith.constant 0 : i32
    %c0_i32_1 = arith.constant 0 : i32
    return %c0_i32, %c0_i32_0 : i32, i32
  }
  func.func @transform_9(%arg0: i32, %arg1: i32) -> (i32, i32) {
    %c0_i32 = arith.constant 0 : i32
    %c0_i32_0 = arith.constant 0 : i32
    %c0_i32_1 = arith.constant 0 : i32
    return %c0_i32, %c0_i32_0 : i32, i32
  }
  func.func @transform_10(%arg0: i32, %arg1: i32) -> (i32, i32) {
    %c0_i32 = arith.constant 0 : i32
    %c0_i32_0 = arith.constant 0 : i32
    %c0_i32_1 = arith.constant 0 : i32
    return %c0_i32, %c0_i32_0 : i32, i32
  }
  func.func @transform_11(%arg0: i32, %arg1: i32) -> (i32, i32) {
    %c0_i32 = arith.constant 0 : i32
    %c0_i32_0 = arith.constant 0 : i32
    %c0_i32_1 = arith.constant 0 : i32
    return %c0_i32, %c0_i32_0 : i32, i32
  }
  func.func @transform_12(%arg0: i32, %arg1: i32) -> (i32, i32) {
    %c0_i32 = arith.constant 0 : i32
    %c0_i32_0 = arith.constant 0 : i32
    %c0_i32_1 = arith.constant 0 : i32
    return %c0_i32, %c0_i32_0 : i32, i32
  }
  func.func @transform_13(%arg0: i32, %arg1: i32) -> (i32, i32) {
    %c0_i32 = arith.constant 0 : i32
    %c0_i32_0 = arith.constant 0 : i32
    %c0_i32_1 = arith.constant 0 : i32
    return %c0_i32, %c0_i32_0 : i32, i32
  }
  func.func @transform_14(%arg0: i32, %arg1: i32) -> (i32, i32) {
    %c0_i32 = arith.constant 0 : i32
    %c0_i32_0 = arith.constant 0 : i32
    %c0_i32_1 = arith.constant 0 : i32
    return %c0_i32, %c0_i32_0 : i32, i32
  }
  func.func @transform_15(%arg0: i32, %arg1: i32) -> (i32, i32) {
    %c0_i32 = arith.constant 0 : i32
    %c0_i32_0 = arith.constant 0 : i32
    %c0_i32_1 = arith.constant 0 : i32
    return %c0_i32, %c0_i32_0 : i32, i32
  }
  func.func @transform_16(%arg0: i32, %arg1: i32) -> (i32, i32) {
    %c0_i32 = arith.constant 0 : i32
    %c0_i32_0 = arith.constant 0 : i32
    %c0_i32_1 = arith.constant 0 : i32
    return %c0_i32, %c0_i32_0 : i32, i32
  }
  func.func @transform_17(%arg0: i32, %arg1: i32) -> (i32, i32) {
    %c0_i32 = arith.constant 0 : i32
    %c0_i32_0 = arith.constant 0 : i32
    %c0_i32_1 = arith.constant 0 : i32
    return %c0_i32, %c0_i32_0 : i32, i32
  }
  func.func @transform_18(%arg0: i32, %arg1: i32) -> (i32, i32) {
    %c0_i32 = arith.constant 0 : i32
    %c0_i32_0 = arith.constant 0 : i32
    %c0_i32_1 = arith.constant 0 : i32
    return %c0_i32, %c0_i32_0 : i32, i32
  }
  func.func @transform_19(%arg0: i32, %arg1: i32) -> (i32, i32) {
    %c0_i32 = arith.constant 0 : i32
    %c0_i32_0 = arith.constant 0 : i32
    %c0_i32_1 = arith.constant 0 : i32
    return %c0_i32, %c0_i32_0 : i32, i32
  }
  func.func @transform_20(%arg0: i32, %arg1: i32) -> (i32, i32) {
    %c0_i32 = arith.constant 0 : i32
    %c0_i32_0 = arith.constant 0 : i32
    %c0_i32_1 = arith.constant 0 : i32
    return %c0_i32, %c0_i32_0 : i32, i32
  }
  func.func @transform_21(%arg0: i32, %arg1: i32) -> (i32, i32) {
    %c0_i32 = arith.constant 0 : i32
    %c0_i32_0 = arith.constant 0 : i32
    %c0_i32_1 = arith.constant 0 : i32
    return %c0_i32, %c0_i32_0 : i32, i32
  }
  func.func @transform_22(%arg0: i32, %arg1: i32) -> (i32, i32) {
    %c0_i32 = arith.constant 0 : i32
    %c0_i32_0 = arith.constant 0 : i32
    %c0_i32_1 = arith.constant 0 : i32
    return %c0_i32, %c0_i32_0 : i32, i32
  }
  func.func @transform_23(%arg0: i32, %arg1: i32) -> (i32, i32, i32) {
    %c0_i32 = arith.constant 0 : i32
    %c0_i32_0 = arith.constant 0 : i32
    return %arg0, %arg1, %c0_i32 : i32, i32, i32
  }
}

module attributes {stable_mosaic.version = 14 : i64} {
  func.func @_head_body(%arg0: memref<1024x259xf32, #tpu.memory_space<vmem>>, %arg1: memref<259x256xbf16, #tpu.memory_space<vmem>>, %arg2: memref<259x256xbf16, #tpu.memory_space<vmem>>, %arg3: memref<1x256xf32, #tpu.memory_space<vmem>>, %arg4: memref<1x256xf32, #tpu.memory_space<vmem>>, %arg5: memref<1x256xf32, #tpu.memory_space<vmem>>, %arg6: memref<256x512xbf16, #tpu.memory_space<vmem>>, %arg7: memref<256x512xbf16, #tpu.memory_space<vmem>>, %arg8: memref<1x512xf32, #tpu.memory_space<vmem>>, %arg9: memref<1x512xf32, #tpu.memory_space<vmem>>, %arg10: memref<1x512xf32, #tpu.memory_space<vmem>>, %arg11: memref<512x1024xbf16, #tpu.memory_space<vmem>>, %arg12: memref<512x1024xbf16, #tpu.memory_space<vmem>>, %arg13: memref<1x1024xf32, #tpu.memory_space<vmem>>, %arg14: memref<1x1024xf32, #tpu.memory_space<vmem>>, %arg15: memref<1x1024xf32, #tpu.memory_space<vmem>>, %arg16: memref<1024x512xbf16, #tpu.memory_space<vmem>>, %arg17: memref<1024x512xbf16, #tpu.memory_space<vmem>>, %arg18: memref<1x512xf32, #tpu.memory_space<vmem>>, %arg19: memref<1x512xf32, #tpu.memory_space<vmem>>, %arg20: memref<1x512xf32, #tpu.memory_space<vmem>>, %arg21: memref<512x256xbf16, #tpu.memory_space<vmem>>, %arg22: memref<512x256xbf16, #tpu.memory_space<vmem>>, %arg23: memref<1x256xf32, #tpu.memory_space<vmem>>, %arg24: memref<1x256xf32, #tpu.memory_space<vmem>>, %arg25: memref<1x256xf32, #tpu.memory_space<vmem>>, %arg26: memref<256x40xbf16, #tpu.memory_space<vmem>>, %arg27: memref<256x40xbf16, #tpu.memory_space<vmem>>, %arg28: memref<1x40xf32, #tpu.memory_space<vmem>>, %arg29: memref<8x1024xf32, #tpu.memory_space<vmem>>, %arg30: memref<8x40xf32, #tpu.memory_space<vmem>>) attributes {dimension_semantics = [], scalar_prefetch = 0 : i64, scratch_operands = 0 : i64, tpu.core_type = #tpu.core_type<tc>} {
    %get3A = arith.constant 0 : index
    %get3A_0 = arith.constant 0 : index
    %get3A_1 = vector.load %arg0[%get3A, %get3A_0] : memref<1024x259xf32, #tpu.memory_space<vmem>>, vector<1024x259xf32>
    %get3A_2 = arith.constant 0 : index
    %get3A_3 = arith.constant 0 : index
    %get3A_4 = vector.load %arg1[%get3A_2, %get3A_3] : memref<259x256xbf16, #tpu.memory_space<vmem>>, vector<259x256xbf16>
    %get3A_5 = arith.constant 0 : index
    %get3A_6 = arith.constant 0 : index
    %get3A_7 = vector.load %arg2[%get3A_5, %get3A_6] : memref<259x256xbf16, #tpu.memory_space<vmem>>, vector<259x256xbf16>
    %convert_element_type3A = arith.truncf %get3A_1 : vector<1024x259xf32> to vector<1024x259xbf16>
    %convert_element_type3A_8 = arith.extf %convert_element_type3A : vector<1024x259xbf16> to vector<1024x259xf32>
    %sub3A = arith.subf %get3A_1, %convert_element_type3A_8 : vector<1024x259xf32>
    %convert_element_type3A_9 = arith.truncf %sub3A : vector<1024x259xf32> to vector<1024x259xbf16>
    %dot_general3A = arith.constant dense<0.000000e+00> : vector<1024x256xf32>
    %dot_general3A_10 = tpu.matmul %convert_element_type3A, %get3A_4, %dot_general3A {dimension_numbers = #tpu.dot_dimension_numbers<[1], [0], [0], [1], [0, 0, 1, 1], [], []>, transpose_lhs_hint = false} : vector<1024x259xbf16>, vector<259x256xbf16>, vector<1024x256xf32> -> vector<1024x256xf32>
    %dot_general3A_11 = arith.constant dense<0.000000e+00> : vector<1024x256xf32>
    %dot_general3A_12 = tpu.matmul %convert_element_type3A, %get3A_7, %dot_general3A_11 {dimension_numbers = #tpu.dot_dimension_numbers<[1], [0], [0], [1], [0, 0, 1, 1], [], []>, transpose_lhs_hint = false} : vector<1024x259xbf16>, vector<259x256xbf16>, vector<1024x256xf32> -> vector<1024x256xf32>
    %dot_general3A_13 = arith.constant dense<0.000000e+00> : vector<1024x256xf32>
    %dot_general3A_14 = tpu.matmul %convert_element_type3A_9, %get3A_4, %dot_general3A_13 {dimension_numbers = #tpu.dot_dimension_numbers<[1], [0], [0], [1], [0, 0, 1, 1], [], []>, transpose_lhs_hint = false} : vector<1024x259xbf16>, vector<259x256xbf16>, vector<1024x256xf32> -> vector<1024x256xf32>
    %add3A = arith.addf %dot_general3A_12, %dot_general3A_14 : vector<1024x256xf32>
    %add3A_15 = arith.addf %dot_general3A_10, %add3A : vector<1024x256xf32>
    %get3A_16 = arith.constant 0 : index
    %get3A_17 = arith.constant 0 : index
    %get3A_18 = vector.load %arg3[%get3A_16, %get3A_17] : memref<1x256xf32, #tpu.memory_space<vmem>>, vector<1x256xf32>
    %add3A_19 = vector.broadcast %get3A_18 : vector<1x256xf32> to vector<1024x256xf32>
    %add3A_20 = arith.addf %add3A_15, %add3A_19 : vector<1024x256xf32>
    %get3A_21 = arith.constant 0 : index
    %get3A_22 = arith.constant 0 : index
    %get3A_23 = vector.load %arg4[%get3A_21, %get3A_22] : memref<1x256xf32, #tpu.memory_space<vmem>>, vector<1x256xf32>
    %mul3A = vector.broadcast %get3A_23 : vector<1x256xf32> to vector<1024x256xf32>
    %mul3A_24 = arith.mulf %mul3A, %add3A_20 : vector<1024x256xf32>
    %get3A_25 = arith.constant 0 : index
    %get3A_26 = arith.constant 0 : index
    %get3A_27 = vector.load %arg5[%get3A_25, %get3A_26] : memref<1x256xf32, #tpu.memory_space<vmem>>, vector<1x256xf32>
    %add3A_28 = vector.broadcast %get3A_27 : vector<1x256xf32> to vector<1024x256xf32>
    %add3A_29 = arith.addf %mul3A_24, %add3A_28 : vector<1024x256xf32>
    %max3A = arith.constant 0.000000e+00 : f32
    %max3A_30 = vector.broadcast %max3A : f32 to vector<1024x256xf32>
    %max3A_31 = arith.maximumf %add3A_29, %max3A_30 : vector<1024x256xf32>
    %get3A_32 = arith.constant 0 : index
    %get3A_33 = arith.constant 0 : index
    %get3A_34 = vector.load %arg6[%get3A_32, %get3A_33] : memref<256x512xbf16, #tpu.memory_space<vmem>>, vector<256x512xbf16>
    %get3A_35 = arith.constant 0 : index
    %get3A_36 = arith.constant 0 : index
    %get3A_37 = vector.load %arg7[%get3A_35, %get3A_36] : memref<256x512xbf16, #tpu.memory_space<vmem>>, vector<256x512xbf16>
    %convert_element_type3A_38 = arith.truncf %max3A_31 : vector<1024x256xf32> to vector<1024x256xbf16>
    %convert_element_type3A_39 = arith.extf %convert_element_type3A_38 : vector<1024x256xbf16> to vector<1024x256xf32>
    %sub3A_40 = arith.subf %max3A_31, %convert_element_type3A_39 : vector<1024x256xf32>
    %convert_element_type3A_41 = arith.truncf %sub3A_40 : vector<1024x256xf32> to vector<1024x256xbf16>
    %dot_general3A_42 = arith.constant dense<0.000000e+00> : vector<1024x512xf32>
    %dot_general3A_43 = tpu.matmul %convert_element_type3A_38, %get3A_34, %dot_general3A_42 {dimension_numbers = #tpu.dot_dimension_numbers<[1], [0], [0], [1], [0, 0, 1, 1], [], []>, transpose_lhs_hint = false} : vector<1024x256xbf16>, vector<256x512xbf16>, vector<1024x512xf32> -> vector<1024x512xf32>
    %dot_general3A_44 = arith.constant dense<0.000000e+00> : vector<1024x512xf32>
    %dot_general3A_45 = tpu.matmul %convert_element_type3A_38, %get3A_37, %dot_general3A_44 {dimension_numbers = #tpu.dot_dimension_numbers<[1], [0], [0], [1], [0, 0, 1, 1], [], []>, transpose_lhs_hint = false} : vector<1024x256xbf16>, vector<256x512xbf16>, vector<1024x512xf32> -> vector<1024x512xf32>
    %dot_general3A_46 = arith.constant dense<0.000000e+00> : vector<1024x512xf32>
    %dot_general3A_47 = tpu.matmul %convert_element_type3A_41, %get3A_34, %dot_general3A_46 {dimension_numbers = #tpu.dot_dimension_numbers<[1], [0], [0], [1], [0, 0, 1, 1], [], []>, transpose_lhs_hint = false} : vector<1024x256xbf16>, vector<256x512xbf16>, vector<1024x512xf32> -> vector<1024x512xf32>
    %add3A_48 = arith.addf %dot_general3A_45, %dot_general3A_47 : vector<1024x512xf32>
    %add3A_49 = arith.addf %dot_general3A_43, %add3A_48 : vector<1024x512xf32>
    %get3A_50 = arith.constant 0 : index
    %get3A_51 = arith.constant 0 : index
    %get3A_52 = vector.load %arg8[%get3A_50, %get3A_51] : memref<1x512xf32, #tpu.memory_space<vmem>>, vector<1x512xf32>
    %add3A_53 = vector.broadcast %get3A_52 : vector<1x512xf32> to vector<1024x512xf32>
    %add3A_54 = arith.addf %add3A_49, %add3A_53 : vector<1024x512xf32>
    %get3A_55 = arith.constant 0 : index
    %get3A_56 = arith.constant 0 : index
    %get3A_57 = vector.load %arg9[%get3A_55, %get3A_56] : memref<1x512xf32, #tpu.memory_space<vmem>>, vector<1x512xf32>
    %mul3A_58 = vector.broadcast %get3A_57 : vector<1x512xf32> to vector<1024x512xf32>
    %mul3A_59 = arith.mulf %mul3A_58, %add3A_54 : vector<1024x512xf32>
    %get3A_60 = arith.constant 0 : index
    %get3A_61 = arith.constant 0 : index
    %get3A_62 = vector.load %arg10[%get3A_60, %get3A_61] : memref<1x512xf32, #tpu.memory_space<vmem>>, vector<1x512xf32>
    %add3A_63 = vector.broadcast %get3A_62 : vector<1x512xf32> to vector<1024x512xf32>
    %add3A_64 = arith.addf %mul3A_59, %add3A_63 : vector<1024x512xf32>
    %max3A_65 = arith.constant 0.000000e+00 : f32
    %max3A_66 = vector.broadcast %max3A_65 : f32 to vector<1024x512xf32>
    %max3A_67 = arith.maximumf %add3A_64, %max3A_66 : vector<1024x512xf32>
    %get3A_68 = arith.constant 0 : index
    %get3A_69 = arith.constant 0 : index
    %get3A_70 = vector.load %arg11[%get3A_68, %get3A_69] : memref<512x1024xbf16, #tpu.memory_space<vmem>>, vector<512x1024xbf16>
    %get3A_71 = arith.constant 0 : index
    %get3A_72 = arith.constant 0 : index
    %get3A_73 = vector.load %arg12[%get3A_71, %get3A_72] : memref<512x1024xbf16, #tpu.memory_space<vmem>>, vector<512x1024xbf16>
    %convert_element_type3A_74 = arith.truncf %max3A_67 : vector<1024x512xf32> to vector<1024x512xbf16>
    %convert_element_type3A_75 = arith.extf %convert_element_type3A_74 : vector<1024x512xbf16> to vector<1024x512xf32>
    %sub3A_76 = arith.subf %max3A_67, %convert_element_type3A_75 : vector<1024x512xf32>
    %convert_element_type3A_77 = arith.truncf %sub3A_76 : vector<1024x512xf32> to vector<1024x512xbf16>
    %dot_general3A_78 = arith.constant dense<0.000000e+00> : vector<1024x1024xf32>
    %dot_general3A_79 = tpu.matmul %convert_element_type3A_74, %get3A_70, %dot_general3A_78 {dimension_numbers = #tpu.dot_dimension_numbers<[1], [0], [0], [1], [0, 0, 1, 1], [], []>, transpose_lhs_hint = false} : vector<1024x512xbf16>, vector<512x1024xbf16>, vector<1024x1024xf32> -> vector<1024x1024xf32>
    %dot_general3A_80 = arith.constant dense<0.000000e+00> : vector<1024x1024xf32>
    %dot_general3A_81 = tpu.matmul %convert_element_type3A_74, %get3A_73, %dot_general3A_80 {dimension_numbers = #tpu.dot_dimension_numbers<[1], [0], [0], [1], [0, 0, 1, 1], [], []>, transpose_lhs_hint = false} : vector<1024x512xbf16>, vector<512x1024xbf16>, vector<1024x1024xf32> -> vector<1024x1024xf32>
    %dot_general3A_82 = arith.constant dense<0.000000e+00> : vector<1024x1024xf32>
    %dot_general3A_83 = tpu.matmul %convert_element_type3A_77, %get3A_70, %dot_general3A_82 {dimension_numbers = #tpu.dot_dimension_numbers<[1], [0], [0], [1], [0, 0, 1, 1], [], []>, transpose_lhs_hint = false} : vector<1024x512xbf16>, vector<512x1024xbf16>, vector<1024x1024xf32> -> vector<1024x1024xf32>
    %add3A_84 = arith.addf %dot_general3A_81, %dot_general3A_83 : vector<1024x1024xf32>
    %add3A_85 = arith.addf %dot_general3A_79, %add3A_84 : vector<1024x1024xf32>
    %get3A_86 = arith.constant 0 : index
    %get3A_87 = arith.constant 0 : index
    %get3A_88 = vector.load %arg13[%get3A_86, %get3A_87] : memref<1x1024xf32, #tpu.memory_space<vmem>>, vector<1x1024xf32>
    %add3A_89 = vector.broadcast %get3A_88 : vector<1x1024xf32> to vector<1024x1024xf32>
    %add3A_90 = arith.addf %add3A_85, %add3A_89 : vector<1024x1024xf32>
    %get3A_91 = arith.constant 0 : index
    %get3A_92 = arith.constant 0 : index
    %get3A_93 = vector.load %arg14[%get3A_91, %get3A_92] : memref<1x1024xf32, #tpu.memory_space<vmem>>, vector<1x1024xf32>
    %mul3A_94 = vector.broadcast %get3A_93 : vector<1x1024xf32> to vector<1024x1024xf32>
    %mul3A_95 = arith.mulf %mul3A_94, %add3A_90 : vector<1024x1024xf32>
    %get3A_96 = arith.constant 0 : index
    %get3A_97 = arith.constant 0 : index
    %get3A_98 = vector.load %arg15[%get3A_96, %get3A_97] : memref<1x1024xf32, #tpu.memory_space<vmem>>, vector<1x1024xf32>
    %add3A_99 = vector.broadcast %get3A_98 : vector<1x1024xf32> to vector<1024x1024xf32>
    %add3A_100 = arith.addf %mul3A_95, %add3A_99 : vector<1024x1024xf32>
    %max3A_101 = arith.constant 0.000000e+00 : f32
    %max3A_102 = vector.broadcast %max3A_101 : f32 to vector<1024x1024xf32>
    %max3A_103 = arith.maximumf %add3A_100, %max3A_102 : vector<1024x1024xf32>
    %reshape3A = vector.shape_cast %max3A_103 : vector<1024x1024xf32> to vector<8x128x1024xf32>
    %reduce_max3A = arith.constant dense<0xFF800000> : vector<8x1024xf32>
    %reduce_max3A_104 = vector.multi_reduction <maximumf>, %reshape3A, %reduce_max3A [1] : vector<8x128x1024xf32> to vector<8x1024xf32>
    %swap3A = arith.constant 0 : index
    %swap3A_105 = arith.constant 0 : index
    %swap3A_106 = vector.load %arg29[%swap3A, %swap3A_105] : memref<8x1024xf32, #tpu.memory_space<vmem>>, vector<8x1024xf32>
    tpu.vector_store %arg29[%swap3A, %swap3A_105], %reduce_max3A_104 {strides = array<i32>} : memref<8x1024xf32, #tpu.memory_space<vmem>>, vector<8x1024xf32>,
    %get3A_107 = arith.constant 0 : index
    %get3A_108 = arith.constant 0 : index
    %get3A_109 = vector.load %arg16[%get3A_107, %get3A_108] : memref<1024x512xbf16, #tpu.memory_space<vmem>>, vector<1024x512xbf16>
    %get3A_110 = arith.constant 0 : index
    %get3A_111 = arith.constant 0 : index
    %get3A_112 = vector.load %arg17[%get3A_110, %get3A_111] : memref<1024x512xbf16, #tpu.memory_space<vmem>>, vector<1024x512xbf16>
    %convert_element_type3A_113 = arith.truncf %reduce_max3A_104 : vector<8x1024xf32> to vector<8x1024xbf16>
    %convert_element_type3A_114 = arith.extf %convert_element_type3A_113 : vector<8x1024xbf16> to vector<8x1024xf32>
    %sub3A_115 = arith.subf %reduce_max3A_104, %convert_element_type3A_114 : vector<8x1024xf32>
    %convert_element_type3A_116 = arith.truncf %sub3A_115 : vector<8x1024xf32> to vector<8x1024xbf16>
    %dot_general3A_117 = arith.constant dense<0.000000e+00> : vector<8x512xf32>
    %dot_general3A_118 = tpu.matmul %convert_element_type3A_113, %get3A_109, %dot_general3A_117 {dimension_numbers = #tpu.dot_dimension_numbers<[1], [0], [0], [1], [0, 0, 1, 1], [], []>, transpose_lhs_hint = false} : vector<8x1024xbf16>, vector<1024x512xbf16>, vector<8x512xf32> -> vector<8x512xf32>
    %dot_general3A_119 = arith.constant dense<0.000000e+00> : vector<8x512xf32>
    %dot_general3A_120 = tpu.matmul %convert_element_type3A_113, %get3A_112, %dot_general3A_119 {dimension_numbers = #tpu.dot_dimension_numbers<[1], [0], [0], [1], [0, 0, 1, 1], [], []>, transpose_lhs_hint = false} : vector<8x1024xbf16>, vector<1024x512xbf16>, vector<8x512xf32> -> vector<8x512xf32>
    %dot_general3A_121 = arith.constant dense<0.000000e+00> : vector<8x512xf32>
    %dot_general3A_122 = tpu.matmul %convert_element_type3A_116, %get3A_109, %dot_general3A_121 {dimension_numbers = #tpu.dot_dimension_numbers<[1], [0], [0], [1], [0, 0, 1, 1], [], []>, transpose_lhs_hint = false} : vector<8x1024xbf16>, vector<1024x512xbf16>, vector<8x512xf32> -> vector<8x512xf32>
    %add3A_123 = arith.addf %dot_general3A_120, %dot_general3A_122 : vector<8x512xf32>
    %add3A_124 = arith.addf %dot_general3A_118, %add3A_123 : vector<8x512xf32>
    %get3A_125 = arith.constant 0 : index
    %get3A_126 = arith.constant 0 : index
    %get3A_127 = vector.load %arg18[%get3A_125, %get3A_126] : memref<1x512xf32, #tpu.memory_space<vmem>>, vector<1x512xf32>
    %add3A_128 = vector.broadcast %get3A_127 : vector<1x512xf32> to vector<8x512xf32>
    %add3A_129 = arith.addf %add3A_124, %add3A_128 : vector<8x512xf32>
    %get3A_130 = arith.constant 0 : index
    %get3A_131 = arith.constant 0 : index
    %get3A_132 = vector.load %arg19[%get3A_130, %get3A_131] : memref<1x512xf32, #tpu.memory_space<vmem>>, vector<1x512xf32>
    %mul3A_133 = vector.broadcast %get3A_132 : vector<1x512xf32> to vector<8x512xf32>
    %mul3A_134 = arith.mulf %mul3A_133, %add3A_129 : vector<8x512xf32>
    %get3A_135 = arith.constant 0 : index
    %get3A_136 = arith.constant 0 : index
    %get3A_137 = vector.load %arg20[%get3A_135, %get3A_136] : memref<1x512xf32, #tpu.memory_space<vmem>>, vector<1x512xf32>
    %add3A_138 = vector.broadcast %get3A_137 : vector<1x512xf32> to vector<8x512xf32>
    %add3A_139 = arith.addf %mul3A_134, %add3A_138 : vector<8x512xf32>
    %max3A_140 = arith.constant 0.000000e+00 : f32
    %max3A_141 = vector.broadcast %max3A_140 : f32 to vector<8x512xf32>
    %max3A_142 = arith.maximumf %add3A_139, %max3A_141 : vector<8x512xf32>
    %get3A_143 = arith.constant 0 : index
    %get3A_144 = arith.constant 0 : index
    %get3A_145 = vector.load %arg21[%get3A_143, %get3A_144] : memref<512x256xbf16, #tpu.memory_space<vmem>>, vector<512x256xbf16>
    %get3A_146 = arith.constant 0 : index
    %get3A_147 = arith.constant 0 : index
    %get3A_148 = vector.load %arg22[%get3A_146, %get3A_147] : memref<512x256xbf16, #tpu.memory_space<vmem>>, vector<512x256xbf16>
    %convert_element_type3A_149 = arith.truncf %max3A_142 : vector<8x512xf32> to vector<8x512xbf16>
    %convert_element_type3A_150 = arith.extf %convert_element_type3A_149 : vector<8x512xbf16> to vector<8x512xf32>
    %sub3A_151 = arith.subf %max3A_142, %convert_element_type3A_150 : vector<8x512xf32>
    %convert_element_type3A_152 = arith.truncf %sub3A_151 : vector<8x512xf32> to vector<8x512xbf16>
    %dot_general3A_153 = arith.constant dense<0.000000e+00> : vector<8x256xf32>
    %dot_general3A_154 = tpu.matmul %convert_element_type3A_149, %get3A_145, %dot_general3A_153 {dimension_numbers = #tpu.dot_dimension_numbers<[1], [0], [0], [1], [0, 0, 1, 1], [], []>, transpose_lhs_hint = false} : vector<8x512xbf16>, vector<512x256xbf16>, vector<8x256xf32> -> vector<8x256xf32>
    %dot_general3A_155 = arith.constant dense<0.000000e+00> : vector<8x256xf32>
    %dot_general3A_156 = tpu.matmul %convert_element_type3A_149, %get3A_148, %dot_general3A_155 {dimension_numbers = #tpu.dot_dimension_numbers<[1], [0], [0], [1], [0, 0, 1, 1], [], []>, transpose_lhs_hint = false} : vector<8x512xbf16>, vector<512x256xbf16>, vector<8x256xf32> -> vector<8x256xf32>
    %dot_general3A_157 = arith.constant dense<0.000000e+00> : vector<8x256xf32>
    %dot_general3A_158 = tpu.matmul %convert_element_type3A_152, %get3A_145, %dot_general3A_157 {dimension_numbers = #tpu.dot_dimension_numbers<[1], [0], [0], [1], [0, 0, 1, 1], [], []>, transpose_lhs_hint = false} : vector<8x512xbf16>, vector<512x256xbf16>, vector<8x256xf32> -> vector<8x256xf32>
    %add3A_159 = arith.addf %dot_general3A_156, %dot_general3A_158 : vector<8x256xf32>
    %add3A_160 = arith.addf %dot_general3A_154, %add3A_159 : vector<8x256xf32>
    %get3A_161 = arith.constant 0 : index
    %get3A_162 = arith.constant 0 : index
    %get3A_163 = vector.load %arg23[%get3A_161, %get3A_162] : memref<1x256xf32, #tpu.memory_space<vmem>>, vector<1x256xf32>
    %add3A_164 = vector.broadcast %get3A_163 : vector<1x256xf32> to vector<8x256xf32>
    %add3A_165 = arith.addf %add3A_160, %add3A_164 : vector<8x256xf32>
    %get3A_166 = arith.constant 0 : index
    %get3A_167 = arith.constant 0 : index
    %get3A_168 = vector.load %arg24[%get3A_166, %get3A_167] : memref<1x256xf32, #tpu.memory_space<vmem>>, vector<1x256xf32>
    %mul3A_169 = vector.broadcast %get3A_168 : vector<1x256xf32> to vector<8x256xf32>
    %mul3A_170 = arith.mulf %mul3A_169, %add3A_165 : vector<8x256xf32>
    %get3A_171 = arith.constant 0 : index
    %get3A_172 = arith.constant 0 : index
    %get3A_173 = vector.load %arg25[%get3A_171, %get3A_172] : memref<1x256xf32, #tpu.memory_space<vmem>>, vector<1x256xf32>
    %add3A_174 = vector.broadcast %get3A_173 : vector<1x256xf32> to vector<8x256xf32>
    %add3A_175 = arith.addf %mul3A_170, %add3A_174 : vector<8x256xf32>
    %max3A_176 = arith.constant 0.000000e+00 : f32
    %max3A_177 = vector.broadcast %max3A_176 : f32 to vector<8x256xf32>
    %max3A_178 = arith.maximumf %add3A_175, %max3A_177 : vector<8x256xf32>
    %get3A_179 = arith.constant 0 : index
    %get3A_180 = arith.constant 0 : index
    %get3A_181 = vector.load %arg26[%get3A_179, %get3A_180] : memref<256x40xbf16, #tpu.memory_space<vmem>>, vector<256x40xbf16>
    %get3A_182 = arith.constant 0 : index
    %get3A_183 = arith.constant 0 : index
    %get3A_184 = vector.load %arg27[%get3A_182, %get3A_183] : memref<256x40xbf16, #tpu.memory_space<vmem>>, vector<256x40xbf16>
    %convert_element_type3A_185 = arith.truncf %max3A_178 : vector<8x256xf32> to vector<8x256xbf16>
    %convert_element_type3A_186 = arith.extf %convert_element_type3A_185 : vector<8x256xbf16> to vector<8x256xf32>
    %sub3A_187 = arith.subf %max3A_178, %convert_element_type3A_186 : vector<8x256xf32>
    %convert_element_type3A_188 = arith.truncf %sub3A_187 : vector<8x256xf32> to vector<8x256xbf16>
    %dot_general3A_189 = arith.constant dense<0.000000e+00> : vector<8x40xf32>
    %dot_general3A_190 = tpu.matmul %convert_element_type3A_185, %get3A_181, %dot_general3A_189 {dimension_numbers = #tpu.dot_dimension_numbers<[1], [0], [0], [1], [0, 0, 1, 1], [], []>, transpose_lhs_hint = false} : vector<8x256xbf16>, vector<256x40xbf16>, vector<8x40xf32> -> vector<8x40xf32>
    %dot_general3A_191 = arith.constant dense<0.000000e+00> : vector<8x40xf32>
    %dot_general3A_192 = tpu.matmul %convert_element_type3A_185, %get3A_184, %dot_general3A_191 {dimension_numbers = #tpu.dot_dimension_numbers<[1], [0], [0], [1], [0, 0, 1, 1], [], []>, transpose_lhs_hint = false} : vector<8x256xbf16>, vector<256x40xbf16>, vector<8x40xf32> -> vector<8x40xf32>
    %dot_general3A_193 = arith.constant dense<0.000000e+00> : vector<8x40xf32>
    %dot_general3A_194 = tpu.matmul %convert_element_type3A_188, %get3A_181, %dot_general3A_193 {dimension_numbers = #tpu.dot_dimension_numbers<[1], [0], [0], [1], [0, 0, 1, 1], [], []>, transpose_lhs_hint = false} : vector<8x256xbf16>, vector<256x40xbf16>, vector<8x40xf32> -> vector<8x40xf32>
    %add3A_195 = arith.addf %dot_general3A_192, %dot_general3A_194 : vector<8x40xf32>
    %add3A_196 = arith.addf %dot_general3A_190, %add3A_195 : vector<8x40xf32>
    %get3A_197 = arith.constant 0 : index
    %get3A_198 = arith.constant 0 : index
    %get3A_199 = vector.load %arg28[%get3A_197, %get3A_198] : memref<1x40xf32, #tpu.memory_space<vmem>>, vector<1x40xf32>
    %add3A_200 = vector.broadcast %get3A_199 : vector<1x40xf32> to vector<8x40xf32>
    %add3A_201 = arith.addf %add3A_196, %add3A_200 : vector<8x40xf32>
    %reduce_max3A_202 = arith.constant dense<0xFF800000> : vector<8xf32>
    %reduce_max3A_203 = vector.multi_reduction <maximumf>, %add3A_201, %reduce_max3A_202 [1] : vector<8x40xf32> to vector<8xf32>
    %broadcast_in_dim3A = vector.shape_cast %reduce_max3A_203 : vector<8xf32> to vector<8x1xf32>
    %sub3A_204 = vector.broadcast %broadcast_in_dim3A : vector<8x1xf32> to vector<8x40xf32>
    %sub3A_205 = arith.subf %add3A_201, %sub3A_204 : vector<8x40xf32>
    %exp3A = math.exp %sub3A_205 : vector<8x40xf32>
    %reduce_sum3A = arith.constant dense<0.000000e+00> : vector<8xf32>
    %reduce_sum3A_206 = vector.multi_reduction <add>, %exp3A, %reduce_sum3A [1] : vector<8x40xf32> to vector<8xf32>
    %broadcast_in_dim3A_207 = vector.shape_cast %reduce_sum3A_206 : vector<8xf32> to vector<8x1xf32>
    %log3A = math.log %broadcast_in_dim3A_207 : vector<8x1xf32>
    %sub3A_208 = vector.broadcast %log3A : vector<8x1xf32> to vector<8x40xf32>
    %sub3A_209 = arith.subf %sub3A_205, %sub3A_208 : vector<8x40xf32>
    %swap3A_210 = arith.constant 0 : index
    %swap3A_211 = arith.constant 0 : index
    %swap3A_212 = vector.load %arg30[%swap3A_210, %swap3A_211] : memref<8x40xf32, #tpu.memory_space<vmem>>, vector<8x40xf32>
    tpu.vector_store %arg30[%swap3A_210, %swap3A_211], %sub3A_209 {strides = array<i32>} : memref<8x40xf32, #tpu.memory_space<vmem>>, vector<8x40xf32>,
    return
  }
}

</mosaic_0001>

<sc_bundles>
// kernel: kernel.12.cloned.1.call-start
scs
__scs_entry_jumppad:
0x0: {  	(pc) =	sbr.rel $0x88, $3  }
0x1: {  	(tag) =	ssettag $0x0;
	lr =	simm.s32 $0x1  }
0x2: {  	[smem:$0x3F72] =	sst lr;
	_ =	strace $0xD0000000  }
0x3: {  	_ = 	snop  }
0x4: {  	_ = 	snop  }
0x5: {  	_ = 	snop  }
0x6: {  	_ = 	snop  }
0x7: {  	_ = 	snop  }
__scs_overlays_trampoline_lowered:
0x8: {  	[smem:$0x3F81] =	sst s0  }
0x9: {  	[smem:$0x3F82] =	sst s1  }
0xa: {  	[smem:$0x3F83] =	sst s2  }
0xb: {  	[smem:$0x3F84] =	sst s3  }
0xc: {  	[smem:$0x3F85] =	sst s4  }
0xd: {  	[smem:$0x3F86] =	sst s5  }
0xe: {  	[smem:$0x3F87] =	sst s6  }
0xf: {  	[smem:$0x3F88] =	sst s7  }
0x10: {  	[smem:$0x3F89] =	sst s8  }
0x11: {  	[smem:$0x3F8A] =	sst s9;
	s0 =	simm.s32 @!p0 $0x0  }
0x12: {  	s1 =	sld [smem:$0x3F70];
	s0 =	simm.s32 @p0 $0x1  }
0x13: {  	[smem:$0x3F8B] =	sst s0;
	s0 =	simm.s32 @!p1 $0x0  }
0x14: {  	s2 =	sld [smem:$0x3F6F];
	s0 =	simm.s32 @p1 $0x1  }
0x15: {  	[smem:$0x3F8C] =	sst s0;
	s0 =	simm.s32 @!p2 $0x0  }
0x16: {  	s3 =	sld [smem:$0x3FDB];
	s0 =	simm.s32 @p2 $0x1  }
0x17: {  	s4 =	simm.s32 $0x1BF5;
	[smem:$0x3F8E] =	sst s0  }
0x18: {  	s0 =	sld [smem:$0x3F71];
	_ =	swait.ge [sflag:s4], $0x0  }
0x19: {  	s7 =	sld [smem:$0x3F72]  }
0x1a: {  	s8 =	sadd.s32 $0xFFFFE003, lr  }
0x1b: {  	s9 =	sadd.s32 $0xFFFFFEF7, lr;
	s5 =	simm.s32 $0xFFFFFFFF;
	p2 =	slt.u32 s8, $0xFFFFF086  }
0x1c: {  	p1 =	slt.u32 s9, $0xF7A;
	s5 =	simm.s32 @!p2 $0x0  }
0x1d: {  	s5 =	simm.s32 @p1 $0x1;
	p0 =	seq.s32 s7, s2  }
0x1e: {  	s7 =	smul.u32 @!p0 $0xF7A, s2;
	p2 =	seq.s32 @!p0 s5, $0x0  }
0x1f: {  	s9 =	smul.u32 $0xF7A, s1;
	s8 =	simm.s32 @!p0 $0x1BF5;
	p2 =	por !p2, p0  }
0x20: {  	[sflag:s8] =	ssyncset.s32 @!p0 $0xFFFFF086;
	s6 =	sadd.s32 @!p0 s3, s7;
	s7 =	simm.s32 @!p0 $0x108  }
0x21: {  	s3 =	sadd.s32 s3, s9;
	s6 =	sadd.s32 @!p0 $0x88, s6;
	s7 =	simm.s32 @p2 $0x1082  }
0x22: {  	[simem:s7], [sflag:s8] =	dma.local @!p0 [hbm:s6], $0xF7A  }
0x23: {  	s9 =	sor.u32 $0xD0000000, s2;
	s6 =	simm.s32 $0x108;
	_ =	swait.ge @!p0 [sflag:s8], $0x0  }
0x24: {  	s3 =	sadd.s32 $0x88, s3;
	s6 =	simm.s32 @!p1 $0x1082;
	[sflag:s4] =	ssyncset.s32 $0xFFFFF086  }
0x25: {  	[simem:s6], [sflag:s4] =	dma.local [hbm:s3], $0xF7A  }
0x26: {  	[smem:$0x3F72] =	sst s1;
	(tag) =	ssettag s2;
	_ =	strace s9  }
0x27: {  	s1 =	sld [smem:$0x3F82]  }
0x28: {  	s2 =	sld [smem:$0x3F83]  }
0x29: {  	s4 =	sld [smem:$0x3F85]  }
0x2a: {  	p0 =	seq.s32 s5, $0x0;
	s5 =	sld [smem:$0x3F86]  }
0x2b: {  	s6 =	sld [smem:$0x3F87]  }
0x2c: {  	s7 =	sld [smem:$0x3F88]  }
0x2d: {  	s3 =	simm.s32 $0x108;
	s8 =	sld [smem:$0x3F89]  }
0x2e: {  	s3 =	simm.s32 @!p0 $0x1082;
	s9 =	sld [smem:$0x3F8A]  }
0x2f: {  	lr =	sadd.s32 s0, s3;
	s0 =	sld [smem:$0x3F81]  }
0x30: {  	s3 =	sld [smem:$0x3F84]  }
0x31: {  	[smem:$0x3F8D] =	sst s10  }
0x32: {  	s10 =	sld [smem:$0x3F8B];
	_ =	sdelay $0x3  }
0x33: {  	p0 =	seq.s32 s10, $0x1;
	s10 =	sld [smem:$0x3F8D];
	_ =	sdelay $0x3  }
0x34: {  	[smem:$0x3F8D] =	sst s10  }
0x35: {  	s10 =	sld [smem:$0x3F8C];
	_ =	sdelay $0x3  }
0x36: {  	p1 =	seq.s32 s10, $0x1;
	s10 =	sld [smem:$0x3F8D];
	_ =	sdelay $0x3  }
0x37: {  	[smem:$0x3F8D] =	sst s10  }
0x38: {  	s10 =	sld [smem:$0x3F8E]  }
0x39: {  	_ = 	snop;
	(pc) =	sbr.ind lr, $3  }
0x3a: {  	_ = 	snop  }
0x3b: {  	_ = 	snop  }
0x3c: {  	p2 =	seq.s32 s10, $0x1;
	s10 =	sld [smem:$0x3F8D]  }
0x3d: {  	_ =	shalt  }
0x3e: {  	_ =	shalt  }
0x3f: {  	_ =	shalt  }
0x40: {  	_ =	shalt  }
0x41: {  	_ =	shalt  }
0x42: {  	_ =	shalt  }
0x43: {  	_ =	shalt  }
0x44: {  	_ =	shalt  }
0x45: {  	_ =	shalt  }
0x46: {  	_ =	shalt  }
0x47: {  	_ =	shalt  }
0x48: {  	_ =	shalt  }
0x49: {  	_ =	shalt  }
0x4a: {  	_ =	shalt  }
0x4b: {  	_ =	shalt  }
0x4c: {  	_ =	shalt  }
0x4d: {  	_ =	shalt  }
0x4e: {  	_ =	shalt  }
0x4f: {  	_ =	shalt  }
0x50: {  	_ =	shalt  }
0x51: {  	_ =	shalt  }
0x52: {  	_ =	shalt  }
0x53: {  	_ =	shalt  }
0x54: {  	_ =	shalt  }
0x55: {  	_ =	shalt  }
0x56: {  	_ =	shalt  }
0x57: {  	_ =	shalt  }
0x58: {  	_ =	shalt  }
0x59: {  	_ =	shalt  }
0x5a: {  	_ =	shalt  }
0x5b: {  	_ =	shalt  }
0x5c: {  	_ =	shalt  }
0x5d: {  	_ =	shalt  }
0x5e: {  	_ =	shalt  }
0x5f: {  	_ =	shalt  }
0x60: {  	_ =	shalt  }
0x61: {  	_ =	shalt  }
0x62: {  	_ =	shalt  }
0x63: {  	_ =	shalt  }
0x64: {  	_ =	shalt  }
0x65: {  	_ =	shalt  }
0x66: {  	_ =	shalt  }
0x67: {  	_ =	shalt  }
0x68: {  	_ =	shalt  }
0x69: {  	_ =	shalt  }
0x6a: {  	_ =	shalt  }
0x6b: {  	_ =	shalt  }
0x6c: {  	_ =	shalt  }
0x6d: {  	_ =	shalt  }
0x6e: {  	_ =	shalt  }
0x6f: {  	_ =	shalt  }
0x70: {  	_ =	shalt  }
0x71: {  	_ =	shalt  }
0x72: {  	_ =	shalt  }
0x73: {  	_ =	shalt  }
0x74: {  	_ =	shalt  }
0x75: {  	_ =	shalt  }
0x76: {  	_ =	shalt  }
0x77: {  	_ =	shalt  }
0x78: {  	_ =	shalt  }
0x79: {  	_ =	shalt  }
0x7a: {  	_ =	shalt  }
0x7b: {  	_ =	shalt  }
0x7c: {  	_ =	shalt  }
0x7d: {  	_ =	shalt  }
0x7e: {  	_ =	shalt  }
0x7f: {  	_ =	shalt  }
0x80: {  	_ =	shalt  }
0x81: {  	_ =	shalt  }
0x82: {  	_ =	shalt  }
0x83: {  	_ =	shalt  }
0x84: {  	_ =	shalt  }
0x85: {  	_ =	shalt  }
0x86: {  	_ =	shalt  }
0x87: {  	_ =	shalt  }
.Lfunc_end0:
.L_simem_size_0:
called_computation.1_lowered:
.L_overlay_start_0:
0x88: {  	s2 =	sld [smem:$0x3FD9]  }
0x89: {  	s3 =	sld [smem:$0x3FFE];
	_ =	sdelay $0x1  }
0x8a: {  	s1 =	srdreg.scid  }
0x8b: {  	s0 =	sand.u32 $0x1, s1  }
0x8c: {  	s14 =	sshll.u32 s0, $0xA;
	s2 =	sadd.s32 s3, s2  }
0x8d: {  	s2 =	sadd.s32 s2, s14  }
0x8e: {  	[smem:$0x3F99] =	sst s2  }
0x8f: {  	_ = 	snop  }
0x90: {  	s2 =	sld [smem:$0x3FD0];
	_ =	sdelay $0x2  }
0x91: {  	s15 =	simm.s32 $0xA;
	s4 =	simm.s32 $0x10  }
0x92: {  	[smem:s4], [sflag:s15] =	dma.local [hbm:s2], $0x1  }
0x93: {  	_ =	swait.eq [sflag:s15], $0x1  }
0x94: {  	[sflag:s15] =	ssyncset.done $0x0  }
0x95: {  	[sflag:s15] =	ssyncadd.s32 $0xFFFFFFFF  }
0x96: {  	s16 =	sld [smem:$0x10];
	(tm) =	ssettm $0x1  }
0x97: {  	s17 =	sld [smem:$0x3FFB];
	_ =	sdelay $0x3  }
0x98: {  	_ =	strace s17  }
0x99: {  	s3 =	sld [smem:$0x3FFC];
	_ =	sdelay $0x3  }
0x9a: {  	_ =	strace s3  }
0x9b: {  	s3 =	sld [smem:$0x3FFD];
	_ =	sdelay $0x3  }
0x9c: {  	_ =	strace s3  }
0x9d: {  	_ =	strace $0x8FFFFFFF  }
0x9e: {  	s18 =	sld [smem:$0x3FDB];
	_ =	sdelay $0x1  }
0x9f: {  	s19 =	simm.s32 $_scs_section_size  }
0xa0: {  	s5 =	simm.s32 $_size__tile_overlayer_lowered;
	s6 =	simm.s32 $_tile_overlayer_lowered  }
0xa1: {  	s22 =	simm.s32 $0x1BFF;
	s21 =	sshll.u32 s6, $0x1;
	s3 =	sadd.s32 s19, s18  }
0xa2: {  	s7 =	simm.s32 $0x0;
	s20 =	sshll.u32 s5, $0x1;
	s5 =	sadd.s32 s21, s3  }
0xa3: {  	[timem:s7], [sflag:s22] =	dma.local [hbm:s5], s20  }
0xa4: {  	_ =	swait.ge [sflag:s22], s20  }
0xa5: {  	s4 =	ssub.s32 $0x0, s20;
	[sflag:s22] =	ssyncset.done $0x0  }
0xa6: {  	[sflag:s22] =	ssyncadd.s32 s4;
	_ =	sdelay $0x1  }
0xa7: {  	s23 =	simm.s32 $0x1B8B  }
0xa8: {  	_ =	swait.ge [sflag:s23], $0x1  }
0xa9: {  	[sflag:s23] =	ssyncset.done $0x0  }
0xaa: {  	s25 =	simm.s32 $0x1B8E;
	s24 =	sld [smem:$0x3FFE];
	[sflag:s23] =	ssyncadd.s32 $0xFFFFFFFF  }
0xab: {  	s26 =	simm.s32 $execute0_lowered;
	[smem:$0x3FD2] =	sst s25  }
0xac: {  	s5 =	sshll.u32 s26, $0x1;
	_ =	strace $0x80000049;
	[dreg:$0x1] =	wrdreg $0xFFFFFFFF  }
0xad: {  	s28 =	simm.s32 $_size_execute0_lowered;
	s3 =	sadd.s32 s3, s5;
	[dreg:$0x0] =	wrdreg $0x0  }
0xae: {  	s5 =	sshll.u32 s28, $0x1;
	[dreg:$0x2] =	wrdreg s3  }
0xaf: {  	[dreg:$0x3] =	wrdreg s5  }
0xb0: {  	[dreg:$0x4] =	wrdreg $0xC0  }
0xb1: {  	_ =	task [dreg:s7], $0x5FFFF  }
0xb2: {  	[dreg:$0x1] =	wrdreg $0xFFFFFFFF  }
0xb3: {  	[dreg:$0x0] =	wrdreg $0x60  }
0xb4: {  	[dreg:$0x2] =	wrdreg s24  }
0xb5: {  	[dreg:$0x3] =	wrdreg s16  }
0xb6: {  	[dreg:$0x4] =	wrdreg $0x9  }
0xb7: {  	_ =	task.clear_ibuf [dreg:s7], $0x5FFFF;
	_ =	strace $0x90000049  }
0xb8: {  	s29 =	simm.s32 $0x9;
	_ =	strace $0x8000004B  }
0xb9: {  	_ =	swait.ge [sflag:s29], $0x1  }
0xba: {  	[sflag:s29] =	ssyncadd.s32 $0xFFFFFFFF  }
0xbb: {  	_ =	strace $0x9000004B  }
0xbc: {  	_ =	sfence  }
0xbd: {  	s30 =	sld [smem:$0x0];
	_ =	sdelay $0x2  }
0xbe: {  	s31 =	sshll.u32 s1, $0xD;
	s1 =	sshrl.u32 s1, $0x2  }
0xbf: {  	s3 =	sand.u32 $0x4000, s31;
	s1 =	sadd.s32 s1, s30  }
0xc0: {  	s0 =	sor.u32 s3, s0;
	s1 =	sshll.u32 s1, $0x11  }
0xc1: {  	s0 =	sor.u32 s1, s0  }
0xc2: {  	s0 =	sadd.s32 $0x8F2B, s0  }
0xc3: {  	[sflag:s0] =	ssyncadd.remote.s32 $0x1  }
0xc4: {  	_ =	sfence.sel $0xFFFF  }
0xc5: {  	[dreg:$0x0] =	wrdreg $0xFFFFFFFF;
	(pc) =	sbr.abs _section_cstart, $3  }
0xc6: {  	[dreg:$0x1] =	wrdreg $0xFFFFFFFF  }
0xc7: {  	_ =	task.clear_ibuf [dreg:s7], $0x2FFFF;
	_ =	strace $0x9FFFFFFF  }
0xc8: {  	(tm) =	ssettm $0x7FFFFFFF  }
0xc9: {  	_ =	shalt  }
tec
execute0_lowered:
.L_overlay_start_1:
0x0: {  	(tag) =	ssettag $0x1  }
0x1: {  	s1 =	srdreg.scid;
	s9 =	rddreg [dreg:$0x0]  }
0x2: {  	s0 =	stileid.u32;
	s3 =	rddreg [dreg:$0x1]  }
0x3: {  	s2 =	simm.s32 $0x0;
	s7 =	simm.s32 $0x80;
	s6 =	sand.u32 $0x1, s1  }
0x4: {  	s4 =	sshll.u32 s0, $0x6;
	s1 =	rddreg [dreg:$0x2];
	s5 =	sshll.u32 s6, $0x5  }
0x5: {  	s8 =	simm.s32 $0x1;
	[smem:$0x7FF] =	sst s2;
	s10 =	sor.u32 s5, s4  }
0x6: {  	_ =	strace $0x8000004A;
	s11 =	ssub.s32 $0x2, s6;
	s4 =	sshrl.u32 s10, $0x3  }
0x7: {  	s6 =	simm.s32 $0x20;
	s4 =	sadd.s32 s3, s4;
	s3 =	simm.s32 $0x2  }
0x8: {  	[tilespmem:s2], [sflag:$0x2] =	stream.linear.gather [hbm4b:s4+s2], $0x20, $0x38;
	[tilespmem:$0x1080] =	vst v63  }
0x9: {  	s5 =	sadd.s32 $0x8C00, s9;
	s12 =	sshrl.u32 s11, $0x1;
	_ =	swait.ge [sflag:s3], $0x20  }
0xa: {  	s10 =	sshll.u32 s10, $0x4;
	s31 =	ssub.s32 s11, s12;
	[sflag:s3] =	ssyncset.done $0x0  }
0xb: {  	s9 =	sadd.s32 s10, s9;
	s10 =	smax.u32 s31, $0x1;
	[sflag:s3] =	ssyncadd.s32 $0xFFFFFFE0  }
0xc: {  	[tilespmem:s7], [sflag:$0x1] =	stream.indirect.gather [hbm4b:s5+s6], $0x80, s2, s6, $0xb8;
	[tilespmem:$0x1080] =	vst v63  }
0xd: {  	p0 =	sne.s32 s10, $0x1;
	_ =	swait.ge [sflag:s8], $0x1000  }
.Ltmp0:
0xe: {  	[sflag:s8] =	ssyncset.done $0x0;
	(pc) =	sbr.rel @!p0 .LBB2_2-.Ltmp0, $4  }
0xf: {  	s9 =	sadd.s32 $0x18C00, s9;
	[sflag:s8] =	ssyncadd.s32 $0xFFFFF000  }
0x10: {  	[hbm4b:s9+s2] =	stream.linear.scatter [tilespmem:s7], [sflag:$0x2], $0x1000, $0x38;
	[tilespmem:$0x1080] =	vst v63  }
0x11: {  	_ =	swait.ge [sflag:s3], $0x1000  }
0x12: {  	s10 =	sadd.s32 $0xFFFFFFFF, s10;
	[sflag:s3] =	ssyncset.done $0x0  }
.LBB2_1:
0x13: {  	p0 =	sne.s32 s10, $0x1;
	s10 =	sadd.s32 $0xFFFFFFFF, s10;
	[sflag:s3] =	ssyncadd.s32 $0xFFFFF000  }
0x14: {  	[tilespmem:s2], [sflag:$0x2] =	stream.linear.gather [hbm4b:s4+s2], $0x20, $0x38;
	[tilespmem:$0x1080] =	vst v63  }
0x15: {  	_ =	swait.ge [sflag:s3], $0x20  }
0x16: {  	[sflag:s3] =	ssyncset.done $0x0  }
0x17: {  	[sflag:s3] =	ssyncadd.s32 $0xFFFFFFE0  }
0x18: {  	[tilespmem:s7], [sflag:$0x1] =	stream.indirect.gather [hbm4b:s5+s6], $0x80, s2, s6, $0xb8;
	[tilespmem:$0x1080] =	vst v63  }
0x19: {  	_ =	swait.ge [sflag:s8], $0x1000  }
.Ltmp1:
0x1a: {  	[sflag:s8] =	ssyncset.done $0x0;
	(pc) =	sbr.rel @p0 .LBB2_1-.Ltmp1, $4  }
0x1b: {  	[sflag:s8] =	ssyncadd.s32 $0xFFFFF000  }
0x1c: {  	[hbm4b:s9+s2] =	stream.linear.scatter [tilespmem:s7], [sflag:$0x2], $0x1000, $0x38;
	[tilespmem:$0x1080] =	vst v63  }
0x1d: {  	_ =	swait.ge [sflag:s3], $0x1000  }
0x1e: {  	[sflag:s3] =	ssyncset.done $0x0  }
.LBB2_2:
0x1f: {  	[sflag:s3] =	ssyncadd.s32 $0xFFFFF000  }
0x20: {  	_ =	sfence.sel $0x180000  }
0x21: {  	[bflag:$0x0] =	sbarrier.arrive $0xFFFF  }
0x22: {  	p0 =	sne.s32 s0, $0x0;
	_ =	strace $0x9000004A  }
0x23: {  	s0 =	sadd.s32 @!p0 $0x100000, s1;
	[bflag:$0x2] =	sbarrier.arrive $0xFFFF  }
0x24: {  	[sflag:s0] =	ssyncadd.tile.s32 @!p0 $0x1;
	_ =	shalt  }
.Lfunc_end2:
_tile_overlayer_lowered:
.L_overlay_start_2:
0x25: {  	(tag) =	ssettag $0x2  }
0x26: {  	s0 =	rddreg [dreg:$0x0];
	s2 =	stileid.u32  }
0x27: {  	s1 =	rddreg [dreg:$0x1];
	p0 =	sne.s32 s2, $0x0  }
0x28: {  	s3 =	rddreg [dreg:$0x2];
	[bflag:$0x3] =	sbarrier.arrive $0xFFFF;
	s2 =	simm.s32 @!p0 $0x1C02  }
0x29: {  	[timem:s3], [sflag:s2] =	dma.local @!p0 [hbm:s0], s1  }
0x2a: {  	s0 =	simm.s32 @!p0 $0x2  }
0x2b: {  	_ =	swait.ge @!p0 [sflag:s0], s1  }
0x2c: {  	s1 =	ssub.s32 @!p0 $0x0, s1;
	[sflag:s0] =	ssyncset.done @!p0 $0x0  }
0x2d: {  	[sflag:s0] =	ssyncadd.s32 @!p0 s1  }
0x2e: {  	[bflag:$0x3] =	sbarrier.arrive $0xFFFF  }
0x2f: {  	_ =	shalt  }

// kernel: kernel.9.cloned.1.call-start
scs
__scs_entry_jumppad:
0x0: {  	(pc) =	sbr.rel $0x88, $3  }
0x1: {  	(tag) =	ssettag $0x0;
	lr =	simm.s32 $0x1  }
0x2: {  	[smem:$0x3F72] =	sst lr;
	_ =	strace $0xD0000000  }
0x3: {  	_ = 	snop  }
0x4: {  	_ = 	snop  }
0x5: {  	_ = 	snop  }
0x6: {  	_ = 	snop  }
0x7: {  	_ = 	snop  }
__scs_overlays_trampoline_lowered:
0x8: {  	[smem:$0x3F81] =	sst s0  }
0x9: {  	[smem:$0x3F82] =	sst s1  }
0xa: {  	[smem:$0x3F83] =	sst s2  }
0xb: {  	[smem:$0x3F84] =	sst s3  }
0xc: {  	[smem:$0x3F85] =	sst s4  }
0xd: {  	[smem:$0x3F86] =	sst s5  }
0xe: {  	[smem:$0x3F87] =	sst s6  }
0xf: {  	[smem:$0x3F88] =	sst s7  }
0x10: {  	[smem:$0x3F89] =	sst s8  }
0x11: {  	[smem:$0x3F8A] =	sst s9;
	s0 =	simm.s32 @!p0 $0x0  }
0x12: {  	s1 =	sld [smem:$0x3F70];
	s0 =	simm.s32 @p0 $0x1  }
0x13: {  	[smem:$0x3F8B] =	sst s0;
	s0 =	simm.s32 @!p1 $0x0  }
0x14: {  	s2 =	sld [smem:$0x3F6F];
	s0 =	simm.s32 @p1 $0x1  }
0x15: {  	[smem:$0x3F8C] =	sst s0;
	s0 =	simm.s32 @!p2 $0x0  }
0x16: {  	s3 =	sld [smem:$0x3FDB];
	s0 =	simm.s32 @p2 $0x1  }
0x17: {  	s4 =	simm.s32 $0x1BF5;
	[smem:$0x3F8E] =	sst s0  }
0x18: {  	s0 =	sld [smem:$0x3F71];
	_ =	swait.ge [sflag:s4], $0x0  }
0x19: {  	s7 =	sld [smem:$0x3F72]  }
0x1a: {  	s8 =	sadd.s32 $0xFFFFE003, lr  }
0x1b: {  	s9 =	sadd.s32 $0xFFFFFEF7, lr;
	s5 =	simm.s32 $0xFFFFFFFF;
	p2 =	slt.u32 s8, $0xFFFFF086  }
0x1c: {  	p1 =	slt.u32 s9, $0xF7A;
	s5 =	simm.s32 @!p2 $0x0  }
0x1d: {  	s5 =	simm.s32 @p1 $0x1;
	p0 =	seq.s32 s7, s2  }
0x1e: {  	s7 =	smul.u32 @!p0 $0xF7A, s2;
	p2 =	seq.s32 @!p0 s5, $0x0  }
0x1f: {  	s9 =	smul.u32 $0xF7A, s1;
	s8 =	simm.s32 @!p0 $0x1BF5;
	p2 =	por !p2, p0  }
0x20: {  	[sflag:s8] =	ssyncset.s32 @!p0 $0xFFFFF086;
	s6 =	sadd.s32 @!p0 s3, s7;
	s7 =	simm.s32 @!p0 $0x108  }
0x21: {  	s3 =	sadd.s32 s3, s9;
	s6 =	sadd.s32 @!p0 $0x88, s6;
	s7 =	simm.s32 @p2 $0x1082  }
0x22: {  	[simem:s7], [sflag:s8] =	dma.local @!p0 [hbm:s6], $0xF7A  }
0x23: {  	s9 =	sor.u32 $0xD0000000, s2;
	s6 =	simm.s32 $0x108;
	_ =	swait.ge @!p0 [sflag:s8], $0x0  }
0x24: {  	s3 =	sadd.s32 $0x88, s3;
	s6 =	simm.s32 @!p1 $0x1082;
	[sflag:s4] =	ssyncset.s32 $0xFFFFF086  }
0x25: {  	[simem:s6], [sflag:s4] =	dma.local [hbm:s3], $0xF7A  }
0x26: {  	[smem:$0x3F72] =	sst s1;
	(tag) =	ssettag s2;
	_ =	strace s9  }
0x27: {  	s1 =	sld [smem:$0x3F82]  }
0x28: {  	s2 =	sld [smem:$0x3F83]  }
0x29: {  	s4 =	sld [smem:$0x3F85]  }
0x2a: {  	p0 =	seq.s32 s5, $0x0;
	s5 =	sld [smem:$0x3F86]  }
0x2b: {  	s6 =	sld [smem:$0x3F87]  }
0x2c: {  	s7 =	sld [smem:$0x3F88]  }
0x2d: {  	s3 =	simm.s32 $0x108;
	s8 =	sld [smem:$0x3F89]  }
0x2e: {  	s3 =	simm.s32 @!p0 $0x1082;
	s9 =	sld [smem:$0x3F8A]  }
0x2f: {  	lr =	sadd.s32 s0, s3;
	s0 =	sld [smem:$0x3F81]  }
0x30: {  	s3 =	sld [smem:$0x3F84]  }
0x31: {  	[smem:$0x3F8D] =	sst s10  }
0x32: {  	s10 =	sld [smem:$0x3F8B];
	_ =	sdelay $0x3  }
0x33: {  	p0 =	seq.s32 s10, $0x1;
	s10 =	sld [smem:$0x3F8D];
	_ =	sdelay $0x3  }
0x34: {  	[smem:$0x3F8D] =	sst s10  }
0x35: {  	s10 =	sld [smem:$0x3F8C];
	_ =	sdelay $0x3  }
0x36: {  	p1 =	seq.s32 s10, $0x1;
	s10 =	sld [smem:$0x3F8D];
	_ =	sdelay $0x3  }
0x37: {  	[smem:$0x3F8D] =	sst s10  }
0x38: {  	s10 =	sld [smem:$0x3F8E]  }
0x39: {  	_ = 	snop;
	(pc) =	sbr.ind lr, $3  }
0x3a: {  	_ = 	snop  }
0x3b: {  	_ = 	snop  }
0x3c: {  	p2 =	seq.s32 s10, $0x1;
	s10 =	sld [smem:$0x3F8D]  }
0x3d: {  	_ =	shalt  }
0x3e: {  	_ =	shalt  }
0x3f: {  	_ =	shalt  }
0x40: {  	_ =	shalt  }
0x41: {  	_ =	shalt  }
0x42: {  	_ =	shalt  }
0x43: {  	_ =	shalt  }
0x44: {  	_ =	shalt  }
0x45: {  	_ =	shalt  }
0x46: {  	_ =	shalt  }
0x47: {  	_ =	shalt  }
0x48: {  	_ =	shalt  }
0x49: {  	_ =	shalt  }
0x4a: {  	_ =	shalt  }
0x4b: {  	_ =	shalt  }
0x4c: {  	_ =	shalt  }
0x4d: {  	_ =	shalt  }
0x4e: {  	_ =	shalt  }
0x4f: {  	_ =	shalt  }
0x50: {  	_ =	shalt  }
0x51: {  	_ =	shalt  }
0x52: {  	_ =	shalt  }
0x53: {  	_ =	shalt  }
0x54: {  	_ =	shalt  }
0x55: {  	_ =	shalt  }
0x56: {  	_ =	shalt  }
0x57: {  	_ =	shalt  }
0x58: {  	_ =	shalt  }
0x59: {  	_ =	shalt  }
0x5a: {  	_ =	shalt  }
0x5b: {  	_ =	shalt  }
0x5c: {  	_ =	shalt  }
0x5d: {  	_ =	shalt  }
0x5e: {  	_ =	shalt  }
0x5f: {  	_ =	shalt  }
0x60: {  	_ =	shalt  }
0x61: {  	_ =	shalt  }
0x62: {  	_ =	shalt  }
0x63: {  	_ =	shalt  }
0x64: {  	_ =	shalt  }
0x65: {  	_ =	shalt  }
0x66: {  	_ =	shalt  }
0x67: {  	_ =	shalt  }
0x68: {  	_ =	shalt  }
0x69: {  	_ =	shalt  }
0x6a: {  	_ =	shalt  }
0x6b: {  	_ =	shalt  }
0x6c: {  	_ =	shalt  }
0x6d: {  	_ =	shalt  }
0x6e: {  	_ =	shalt  }
0x6f: {  	_ =	shalt  }
0x70: {  	_ =	shalt  }
0x71: {  	_ =	shalt  }
0x72: {  	_ =	shalt  }
0x73: {  	_ =	shalt  }
0x74: {  	_ =	shalt  }
0x75: {  	_ =	shalt  }
0x76: {  	_ =	shalt  }
0x77: {  	_ =	shalt  }
0x78: {  	_ =	shalt  }
0x79: {  	_ =	shalt  }
0x7a: {  	_ =	shalt  }
0x7b: {  	_ =	shalt  }
0x7c: {  	_ =	shalt  }
0x7d: {  	_ =	shalt  }
0x7e: {  	_ =	shalt  }
0x7f: {  	_ =	shalt  }
0x80: {  	_ =	shalt  }
0x81: {  	_ =	shalt  }
0x82: {  	_ =	shalt  }
0x83: {  	_ =	shalt  }
0x84: {  	_ =	shalt  }
0x85: {  	_ =	shalt  }
0x86: {  	_ =	shalt  }
0x87: {  	_ =	shalt  }
.Lfunc_end0:
.L_simem_size_0:
called_computation_lowered:
.L_overlay_start_0:
0x88: {  	s2 =	sld [smem:$0x3FD9]  }
0x89: {  	s3 =	sld [smem:$0x3FFE];
	_ =	sdelay $0x1  }
0x8a: {  	s1 =	srdreg.scid  }
0x8b: {  	s0 =	sand.u32 $0x1, s1  }
0x8c: {  	s14 =	sshll.u32 s0, $0xA;
	s2 =	sadd.s32 s3, s2  }
0x8d: {  	s2 =	sadd.s32 s2, s14  }
0x8e: {  	[smem:$0x3F99] =	sst s2  }
0x8f: {  	_ = 	snop  }
0x90: {  	s2 =	sld [smem:$0x3FD0];
	_ =	sdelay $0x2  }
0x91: {  	s15 =	simm.s32 $0xA;
	s4 =	simm.s32 $0x10  }
0x92: {  	[smem:s4], [sflag:s15] =	dma.local [hbm:s2], $0x1  }
0x93: {  	_ =	swait.eq [sflag:s15], $0x1  }
0x94: {  	[sflag:s15] =	ssyncset.done $0x0  }
0x95: {  	[sflag:s15] =	ssyncadd.s32 $0xFFFFFFFF  }
0x96: {  	s16 =	sld [smem:$0x11];
	(tm) =	ssettm $0x1  }
0x97: {  	s17 =	sld [smem:$0x3FFB];
	_ =	sdelay $0x3  }
0x98: {  	_ =	strace s17  }
0x99: {  	s3 =	sld [smem:$0x3FFC];
	_ =	sdelay $0x3  }
0x9a: {  	_ =	strace s3  }
0x9b: {  	s3 =	sld [smem:$0x3FFD];
	_ =	sdelay $0x3  }
0x9c: {  	_ =	strace s3  }
0x9d: {  	_ =	strace $0x8FFFFFFF  }
0x9e: {  	s18 =	sld [smem:$0x3FDB];
	_ =	sdelay $0x1  }
0x9f: {  	s19 =	simm.s32 $_scs_section_size  }
0xa0: {  	s5 =	simm.s32 $_size__tile_overlayer_lowered;
	s6 =	simm.s32 $_tile_overlayer_lowered  }
0xa1: {  	s22 =	simm.s32 $0x1BFF;
	s21 =	sshll.u32 s6, $0x1;
	s3 =	sadd.s32 s19, s18  }
0xa2: {  	s7 =	simm.s32 $0x0;
	s20 =	sshll.u32 s5, $0x1;
	s5 =	sadd.s32 s21, s3  }
0xa3: {  	[timem:s7], [sflag:s22] =	dma.local [hbm:s5], s20  }
0xa4: {  	_ =	swait.ge [sflag:s22], s20  }
0xa5: {  	s4 =	ssub.s32 $0x0, s20;
	[sflag:s22] =	ssyncset.done $0x0  }
0xa6: {  	[sflag:s22] =	ssyncadd.s32 s4;
	_ =	sdelay $0x1  }
0xa7: {  	s23 =	simm.s32 $0x1B8B  }
0xa8: {  	_ =	swait.ge [sflag:s23], $0x1  }
0xa9: {  	[sflag:s23] =	ssyncset.done $0x0  }
0xaa: {  	s25 =	simm.s32 $0x1B8E;
	s24 =	sld [smem:$0x3FFE];
	[sflag:s23] =	ssyncadd.s32 $0xFFFFFFFF  }
0xab: {  	s26 =	simm.s32 $execute0_lowered;
	[smem:$0x3FD2] =	sst s25  }
0xac: {  	s5 =	sshll.u32 s26, $0x1;
	_ =	strace $0x80000046;
	[dreg:$0x1] =	wrdreg $0xFFFFFFFF  }
0xad: {  	s28 =	simm.s32 $_size_execute0_lowered;
	s3 =	sadd.s32 s3, s5;
	[dreg:$0x0] =	wrdreg $0x0  }
0xae: {  	s5 =	sshll.u32 s28, $0x1;
	[dreg:$0x2] =	wrdreg s3  }
0xaf: {  	[dreg:$0x3] =	wrdreg s5  }
0xb0: {  	[dreg:$0x4] =	wrdreg $0xC0  }
0xb1: {  	_ =	task [dreg:s7], $0x5FFFF  }
0xb2: {  	[dreg:$0x1] =	wrdreg $0xFFFFFFFF  }
0xb3: {  	[dreg:$0x0] =	wrdreg $0x60  }
0xb4: {  	[dreg:$0x2] =	wrdreg s24  }
0xb5: {  	[dreg:$0x3] =	wrdreg s16  }
0xb6: {  	[dreg:$0x4] =	wrdreg $0x9  }
0xb7: {  	_ =	task.clear_ibuf [dreg:s7], $0x5FFFF;
	_ =	strace $0x90000046  }
0xb8: {  	s29 =	simm.s32 $0x9;
	_ =	strace $0x80000048  }
0xb9: {  	_ =	swait.ge [sflag:s29], $0x1  }
0xba: {  	[sflag:s29] =	ssyncadd.s32 $0xFFFFFFFF  }
0xbb: {  	_ =	strace $0x90000048  }
0xbc: {  	_ =	sfence  }
0xbd: {  	s30 =	sld [smem:$0x0];
	_ =	sdelay $0x2  }
0xbe: {  	s31 =	sshll.u32 s1, $0xD;
	s1 =	sshrl.u32 s1, $0x2  }
0xbf: {  	s3 =	sand.u32 $0x4000, s31;
	s1 =	sadd.s32 s1, s30  }
0xc0: {  	s0 =	sor.u32 s3, s0;
	s1 =	sshll.u32 s1, $0x11  }
0xc1: {  	s0 =	sor.u32 s1, s0  }
0xc2: {  	s0 =	sadd.s32 $0x8F2B, s0  }
0xc3: {  	[sflag:s0] =	ssyncadd.remote.s32 $0x1  }
0xc4: {  	_ =	sfence.sel $0xFFFF  }
0xc5: {  	[dreg:$0x0] =	wrdreg $0xFFFFFFFF;
	(pc) =	sbr.abs _section_cstart, $3  }
0xc6: {  	[dreg:$0x1] =	wrdreg $0xFFFFFFFF  }
0xc7: {  	_ =	task.clear_ibuf [dreg:s7], $0x2FFFF;
	_ =	strace $0x9FFFFFFF  }
0xc8: {  	(tm) =	ssettm $0x7FFFFFFF  }
0xc9: {  	_ =	shalt  }
tec
execute0_lowered:
.L_overlay_start_1:
0x0: {  	(tag) =	ssettag $0x1  }
0x1: {  	s1 =	srdreg.scid  }
0x2: {  	s8 =	rddreg [dreg:$0x0];
	s0 =	stileid.u32  }
0x3: {  	s3 =	rddreg [dreg:$0x1];
	s2 =	simm.s32 $0x0;
	s6 =	sand.u32 $0x1, s1  }
0x4: {  	s4 =	sshll.u32 s0, $0x8;
	s1 =	rddreg [dreg:$0x2];
	s5 =	sshll.u32 s6, $0x7  }
0x5: {  	s7 =	simm.s32 $0x1;
	[smem:$0x7FF] =	sst s2;
	s9 =	sor.u32 s5, s4  }
0x6: {  	_ =	strace $0x80000047;
	s10 =	ssub.s32 $0x2, s6;
	s4 =	sshrl.u32 s9, $0x3  }
0x7: {  	s6 =	simm.s32 $0x80;
	s4 =	sadd.s32 s3, s4;
	s3 =	simm.s32 $0x2  }
0x8: {  	[tilespmem:s2], [sflag:$0x2] =	stream.linear.gather [hbm4b:s4+s2], $0x80, $0x38;
	[tilespmem:$0x4080] =	vst v63  }
0x9: {  	s5 =	sadd.s32 $0x8C00, s8;
	s11 =	sshrl.u32 s10, $0x1;
	_ =	swait.ge [sflag:s3], $0x80  }
0xa: {  	s9 =	sshll.u32 s9, $0x4;
	s31 =	ssub.s32 s10, s11;
	[sflag:s3] =	ssyncset.done $0x0  }
0xb: {  	s8 =	sadd.s32 s9, s8;
	s9 =	smax.u32 s31, $0x1;
	[sflag:s3] =	ssyncadd.s32 $0xFFFFFF80  }
0xc: {  	[tilespmem:s6], [sflag:$0x1] =	stream.indirect.gather [hbm4b:s5+s6], $0x80, s2, s6, $0xb8;
	[tilespmem:$0x4080] =	vst v63  }
0xd: {  	p0 =	sne.s32 s9, $0x1;
	_ =	swait.ge [sflag:s7], $0x4000  }
.Ltmp0:
0xe: {  	[sflag:s7] =	ssyncset.done $0x0;
	(pc) =	sbr.rel @!p0 .LBB2_2-.Ltmp0, $4  }
0xf: {  	s8 =	sadd.s32 $0x28C00, s8;
	[sflag:s7] =	ssyncadd.s32 $0xFFFFC000  }
0x10: {  	[hbm4b:s8+s2] =	stream.linear.scatter [tilespmem:s6], [sflag:$0x2], $0x4000, $0x38;
	[tilespmem:$0x4080] =	vst v63  }
0x11: {  	_ =	swait.ge [sflag:s3], $0x4000  }
0x12: {  	s9 =	sadd.s32 $0xFFFFFFFF, s9;
	[sflag:s3] =	ssyncset.done $0x0  }
.LBB2_1:
0x13: {  	p0 =	sne.s32 s9, $0x1;
	s9 =	sadd.s32 $0xFFFFFFFF, s9;
	[sflag:s3] =	ssyncadd.s32 $0xFFFFC000  }
0x14: {  	[tilespmem:s2], [sflag:$0x2] =	stream.linear.gather [hbm4b:s4+s2], $0x80, $0x38;
	[tilespmem:$0x4080] =	vst v63  }
0x15: {  	_ =	swait.ge [sflag:s3], $0x80  }
0x16: {  	[sflag:s3] =	ssyncset.done $0x0  }
0x17: {  	[sflag:s3] =	ssyncadd.s32 $0xFFFFFF80  }
0x18: {  	[tilespmem:s6], [sflag:$0x1] =	stream.indirect.gather [hbm4b:s5+s6], $0x80, s2, s6, $0xb8;
	[tilespmem:$0x4080] =	vst v63  }
0x19: {  	_ =	swait.ge [sflag:s7], $0x4000  }
.Ltmp1:
0x1a: {  	[sflag:s7] =	ssyncset.done $0x0;
	(pc) =	sbr.rel @p0 .LBB2_1-.Ltmp1, $4  }
0x1b: {  	[sflag:s7] =	ssyncadd.s32 $0xFFFFC000  }
0x1c: {  	[hbm4b:s8+s2] =	stream.linear.scatter [tilespmem:s6], [sflag:$0x2], $0x4000, $0x38;
	[tilespmem:$0x4080] =	vst v63  }
0x1d: {  	_ =	swait.ge [sflag:s3], $0x4000  }
0x1e: {  	[sflag:s3] =	ssyncset.done $0x0  }
.LBB2_2:
0x1f: {  	[sflag:s3] =	ssyncadd.s32 $0xFFFFC000  }
0x20: {  	_ =	sfence.sel $0x180000  }
0x21: {  	[bflag:$0x0] =	sbarrier.arrive $0xFFFF  }
0x22: {  	p0 =	sne.s32 s0, $0x0;
	_ =	strace $0x90000047  }
0x23: {  	s0 =	sadd.s32 @!p0 $0x100000, s1;
	[bflag:$0x2] =	sbarrier.arrive $0xFFFF  }
0x24: {  	[sflag:s0] =	ssyncadd.tile.s32 @!p0 $0x1;
	_ =	shalt  }
.Lfunc_end2:
_tile_overlayer_lowered:
.L_overlay_start_2:
0x25: {  	(tag) =	ssettag $0x2  }
0x26: {  	s0 =	rddreg [dreg:$0x0];
	s2 =	stileid.u32  }
0x27: {  	s1 =	rddreg [dreg:$0x1];
	p0 =	sne.s32 s2, $0x0  }
0x28: {  	s3 =	rddreg [dreg:$0x2];
	[bflag:$0x3] =	sbarrier.arrive $0xFFFF;
	s2 =	simm.s32 @!p0 $0x1C02  }
0x29: {  	[timem:s3], [sflag:s2] =	dma.local @!p0 [hbm:s0], s1  }
0x2a: {  	s0 =	simm.s32 @!p0 $0x2  }
0x2b: {  	_ =	swait.ge @!p0 [sflag:s0], s1  }
0x2c: {  	s1 =	ssub.s32 @!p0 $0x0, s1;
	[sflag:s0] =	ssyncset.done @!p0 $0x0  }
0x2d: {  	[sflag:s0] =	ssyncadd.s32 @!p0 s1  }
0x2e: {  	[bflag:$0x3] =	sbarrier.arrive $0xFFFF  }
0x2f: {  	_ =	shalt  }

</sc_bundles>
